<compile_context>
chip_gen: v7x
topology: tpu7x:2x2x1
jax: 0.10.2.dev20260603
libtpu: 0.0.44.dev20260713+nightly
codegen_flags: <defaults>
</compile_context>

<pallas_src>
import functools

import jax
import jax.numpy as jnp
from jax import lax
from jax.experimental import pallas as pl
from jax.experimental.pallas import tpu as pltpu
from jax.experimental.pallas import tpu_sc as plsc

DIM = 128
BATCH = 16384

_info = plsc.get_sparse_core_info()
_NC = _info.num_cores
_NS = _info.num_subcores
_NW = _NC * _NS
_CHUNK = 128
_ROWS = BATCH // _CHUNK
_CPW = _ROWS // _NW
_GROUPS = _CHUNK // 16

_mesh = plsc.VectorSubcoreMesh(core_axis_name="c", subcore_axis_name="s")


@functools.partial(
    pl.kernel,
    mesh=_mesh,
    compiler_params=pltpu.CompilerParams(
        needs_layout_passes=False, use_tc_tiling_on_sc=False,
        skip_device_barrier=True),
    out_type=jax.ShapeDtypeStruct((_ROWS, _CHUNK), jnp.float32),
    scratch_types=[
        pltpu.VMEM((_CPW, _CHUNK), jnp.int32),
        pltpu.VMEM((_CPW, _CHUNK), jnp.int32),
        pltpu.VMEM((_CHUNK, DIM), jnp.float32),
        pltpu.VMEM((_CHUNK, DIM), jnp.float32),
        pltpu.VMEM((_CHUNK, DIM), jnp.float32),
        pltpu.VMEM((_CHUNK, DIM), jnp.float32),
        pltpu.VMEM((_CPW, _CHUNK), jnp.float32),
        pltpu.SemaphoreType.DMA,
        pltpu.SemaphoreType.DMA,
    ],
)
def _dne_sc(sidx_hbm, ridx_hbm, stab_hbm, rtab_hbm, out_hbm,
            sidx_v, ridx_v, srows0, srows1, rrows0, rrows1, out_v,
            sem0, sem1):
    wid = lax.axis_index("s") * _NC + lax.axis_index("c")
    base = wid * _CPW
    pltpu.sync_copy(sidx_hbm.at[pl.ds(base, _CPW)], sidx_v)
    pltpu.sync_copy(ridx_hbm.at[pl.ds(base, _CPW)], ridx_v)

    sbuf = (srows0, srows1)
    rbuf = (rrows0, rrows1)
    sems = (sem0, sem1)

    def start(c):
        p = c & 1
        cs = pltpu.async_copy(stab_hbm.at[sidx_v.at[c]], sbuf[p], sems[p])
        cr = pltpu.async_copy(rtab_hbm.at[ridx_v.at[c]], rbuf[p], sems[p])
        return (cs, cr)

    lane = lax.iota(jnp.int32, 16)
    pending = start(0)
    for c in range(_CPW):
        p = c & 1
        pending[0].wait()
        pending[1].wait()
        if c + 1 < _CPW:
            pending = start(c + 1)
        sv_ref = sbuf[p]
        rv_ref = rbuf[p]

        def gbody(g, _, c=c, sv_ref=sv_ref, rv_ref=rv_ref):
            rows = lane + g * 16

            def body(j, carry):
                del j
                col, dot, ns, nr = carry
                sv = plsc.load_gather(sv_ref, [rows, col])
                rv = plsc.load_gather(rv_ref, [rows, col])
                col = (col + 1) & 127
                return (col, dot + sv * rv, ns + sv * sv, nr + rv * rv)

            z = jnp.zeros((16,), jnp.float32)
            _, dot, ns, nr = lax.fori_loop(0, DIM, body, (lane, z, z, z),
                                           unroll=8)
            x = ns * nr
            i = plsc.bitcast(x, jnp.int32)
            i = jnp.int32(0x5F3759DF) - (i >> 1)
            y = plsc.bitcast(i, jnp.float32)
            for _ in range(3):
                y = y * (1.5 - 0.5 * x * y * y)
            out_v[c, pl.ds(g * 16, 16)] = dot * y
            return 0

        lax.fori_loop(0, _GROUPS, gbody, 0)

    pltpu.sync_copy(out_v, out_hbm.at[pl.ds(base, _CPW)])


def kernel(sender_idx, receiver_idx, sender_table, receiver_table):
    sidx = sender_idx.astype(jnp.int32).reshape(_ROWS, _CHUNK)
    ridx = receiver_idx.astype(jnp.int32).reshape(_ROWS, _CHUNK)
    out = _dne_sc(sidx, ridx, sender_table, receiver_table)
    return out.reshape(BATCH)

# --- scband reference (transcript-rebuilt; emitter-appended) ---
"""Pipeline reference for scband-dne-71966472012373 (READ-ONLY COPY).

The authoritative reference and input builder live on the scoring server;
editing this copy changes nothing except your own understanding.
"""

import jax, jax.numpy as jnp
import numpy as np

NODE_NUM = 1000000
DIM = 128
BATCH = 16384

def setup_inputs(seed: int = 0) -> dict:
    key = jax.random.key(seed)
    k1, k2, k3, k4 = jax.random.split(key, 4)
    sender_idx = jax.random.randint(k1, (BATCH,), 0, NODE_NUM, dtype=jnp.int64 if jax.config.jax_enable_x64 else jnp.int32)
    receiver_idx = jax.random.randint(k2, (BATCH,), 0, NODE_NUM, dtype=jnp.int64 if jax.config.jax_enable_x64 else jnp.int32)
    sender_table = jax.random.normal(k3, (NODE_NUM, DIM), dtype=jnp.float32)
    receiver_table = jax.random.normal(k4, (NODE_NUM, DIM), dtype=jnp.float32)
    return {
        "sender_idx": sender_idx,
        "receiver_idx": receiver_idx,
        "sender_table": sender_table,
        "receiver_table": receiver_table,
    }

def reference(sender_idx, receiver_idx, sender_table, receiver_table):
    # sender_emb = self.sender(sender_idx)
    sender_emb = jnp.take(sender_table, sender_idx, axis=0)
    # sender_emb = sender_emb / torch.norm(sender_emb, dim=1).unsqueeze(1)
    sender_emb = sender_emb / jnp.linalg.norm(sender_emb, axis=1)[:, None]
    # receiver_emb = self.receiver(receiver_idx)
    receiver_emb = jnp.take(receiver_table, receiver_idx, axis=0)
    receiver_emb = receiver_emb / jnp.linalg.norm(receiver_emb, axis=1)[:, None]
    # output = torch.sum(sender_emb * receiver_emb, dim=1)
    output = jnp.sum(sender_emb * receiver_emb, axis=1)
    return output

if __name__ == "__main__":
    import jax
    _d = setup_inputs()
    print(jax.jit(kernel)(*tuple(_d.values())))

</pallas_src>

<mosaic_0001>
#map = affine_map<(d0, d1) -> (0, 0)>
module attributes {stable_mosaic.version = 14 : i64} {
  func.func @_dne_sc(%arg0: i32, %arg1: i32, %arg2: memref<128x128xi32, #tpu.memory_space<hbm>>, %arg3: memref<128x128xi32, #tpu.memory_space<hbm>>, %arg4: memref<1000000x128xf32, #tpu.memory_space<hbm>>, %arg5: memref<1000000x128xf32, #tpu.memory_space<hbm>>, %arg6: memref<128x128xf32, #tpu.memory_space<hbm>>, %arg7: memref<4x128xi32, #tpu.memory_space<vmem>>, %arg8: memref<4x128xi32, #tpu.memory_space<vmem>>, %arg9: memref<128x128xf32, #tpu.memory_space<vmem>>, %arg10: memref<128x128xf32, #tpu.memory_space<vmem>>, %arg11: memref<128x128xf32, #tpu.memory_space<vmem>>, %arg12: memref<128x128xf32, #tpu.memory_space<vmem>>, %arg13: memref<4x128xf32, #tpu.memory_space<vmem>>, %arg14: memref<!tpu.dma_semaphore, #tpu.memory_space<semaphore_mem>>, %arg15: memref<!tpu.dma_semaphore, #tpu.memory_space<semaphore_mem>>) attributes {dimension_semantics = [#tpu.dimension_semantics<core_parallel>, #tpu.dimension_semantics<subcore_parallel>], iteration_bounds = array<i64: 2, 16>, scalar_prefetch = 0 : i64, scratch_operands = 9 : i64, tpu.core_type = #tpu.core_type<sc_vector_subcore>, window_params = [{transform_indices = #map}, {transform_indices = #map}, {transform_indices = #map}, {transform_indices = #map}, {transform_indices = #map}]} {
    %mul3A = arith.constant 2 : i32
    %mul3A_0 = arith.muli %arg1, %mul3A : i32
    %add3A = arith.addi %mul3A_0, %arg0 : i32
    %mul3A_1 = arith.constant 4 : i32
    %mul3A_2 = arith.muli %add3A, %mul3A_1 : i32
    "tpu.region"() ({
      %run_scoped3A = tpu.sem_alloc : memref<!tpu.dma_semaphore, #tpu.memory_space<semaphore_mem>>
      %dma_start3A_140 = arith.constant 0 : i32
      %dma_start3A_141 = tpu.memref_slice %arg2[%mul3A_2, %dma_start3A_140] : memref<128x128xi32, #tpu.memory_space<hbm>> -> memref<4x128xi32, #tpu.memory_space<hbm>>
      %dma_start3A_142 = arith.constant 0 : i32
      %dma_start3A_143 = tpu.memref_slice %arg2[%mul3A_2, %dma_start3A_142] : memref<128x128xi32, #tpu.memory_space<hbm>> -> memref<4x128xi32, #tpu.memory_space<hbm>>
      tpu.enqueue_dma source(%dma_start3A_143 : memref<4x128xi32, #tpu.memory_space<hbm>>) target(%arg7 : memref<4x128xi32, #tpu.memory_space<vmem>>) target_semaphore(%run_scoped3A : memref<!tpu.dma_semaphore, #tpu.memory_space<semaphore_mem>>)
      %dma_wait3A_144 = arith.constant 0 : i32
      %dma_wait3A_145 = tpu.memref_slice %arg2[%mul3A_2, %dma_wait3A_144] : memref<128x128xi32, #tpu.memory_space<hbm>> -> memref<4x128xi32, #tpu.memory_space<hbm>>
      %dma_wait3A_146 = arith.constant 0 : i32
      %dma_wait3A_147 = tpu.memref_slice %arg2[%mul3A_2, %dma_wait3A_146] : memref<128x128xi32, #tpu.memory_space<hbm>> -> memref<4x128xi32, #tpu.memory_space<hbm>>
      tpu.wait_dma2 semaphore(%run_scoped3A : memref<!tpu.dma_semaphore, #tpu.memory_space<semaphore_mem>>) src(%dma_wait3A_147 : memref<4x128xi32, #tpu.memory_space<hbm>>) dst(%arg7 : memref<4x128xi32, #tpu.memory_space<vmem>>)
      tpu.yield
    }) : () -> ()
    "tpu.region"() ({
      %run_scoped3A = tpu.sem_alloc : memref<!tpu.dma_semaphore, #tpu.memory_space<semaphore_mem>>
      %dma_start3A_140 = arith.constant 0 : i32
      %dma_start3A_141 = tpu.memref_slice %arg3[%mul3A_2, %dma_start3A_140] : memref<128x128xi32, #tpu.memory_space<hbm>> -> memref<4x128xi32, #tpu.memory_space<hbm>>
      %dma_start3A_142 = arith.constant 0 : i32
      %dma_start3A_143 = tpu.memref_slice %arg3[%mul3A_2, %dma_start3A_142] : memref<128x128xi32, #tpu.memory_space<hbm>> -> memref<4x128xi32, #tpu.memory_space<hbm>>
      tpu.enqueue_dma source(%dma_start3A_143 : memref<4x128xi32, #tpu.memory_space<hbm>>) target(%arg8 : memref<4x128xi32, #tpu.memory_space<vmem>>) target_semaphore(%run_scoped3A : memref<!tpu.dma_semaphore, #tpu.memory_space<semaphore_mem>>)
      %dma_wait3A_144 = arith.constant 0 : i32
      %dma_wait3A_145 = tpu.memref_slice %arg3[%mul3A_2, %dma_wait3A_144] : memref<128x128xi32, #tpu.memory_space<hbm>> -> memref<4x128xi32, #tpu.memory_space<hbm>>
      %dma_wait3A_146 = arith.constant 0 : i32
      %dma_wait3A_147 = tpu.memref_slice %arg3[%mul3A_2, %dma_wait3A_146] : memref<128x128xi32, #tpu.memory_space<hbm>> -> memref<4x128xi32, #tpu.memory_space<hbm>>
      tpu.wait_dma2 semaphore(%run_scoped3A : memref<!tpu.dma_semaphore, #tpu.memory_space<semaphore_mem>>) src(%dma_wait3A_147 : memref<4x128xi32, #tpu.memory_space<hbm>>) dst(%arg8 : memref<4x128xi32, #tpu.memory_space<vmem>>)
      tpu.yield
    }) : () -> ()
    %iota3A = tpu.iota {dimensions = array<i32: 0>} : vector<16xi32>
    %dma_start3A = arith.constant 0 : i32
    %dma_start3A_3 = arith.constant 0 : i32
    %dma_start3A_4 = tpu.memref_slice %arg7[%dma_start3A, %dma_start3A_3] : memref<4x128xi32, #tpu.memory_space<vmem>> -> memref<1x128xi32, #tpu.memory_space<vmem>>
    %dma_start3A_5 = tpu.memref_squeeze %dma_start3A_4 : memref<1x128xi32, #tpu.memory_space<vmem>> -> memref<128xi32, #tpu.memory_space<vmem>>
    %dma_start3A_6 = arith.constant 0 : i32
    %dma_start3A_7 = arith.constant 0 : i32
    %dma_start3A_8 = tpu.memref_slice %arg4[%dma_start3A_6, %dma_start3A_7] : memref<1000000x128xf32, #tpu.memory_space<hbm>> -> memref<1000000x128xf32, #tpu.memory_space<hbm>>
    tpu.enqueue_indirect_dma source(%dma_start3A_8 : memref<1000000x128xf32, #tpu.memory_space<hbm>>) target(%arg9 : memref<128x128xf32, #tpu.memory_space<vmem>>) offsets(%dma_start3A_5 : memref<128xi32, #tpu.memory_space<vmem>>) semaphore(%arg14 : memref<!tpu.dma_semaphore, #tpu.memory_space<semaphore_mem>>)
    %dma_start3A_9 = arith.constant 0 : i32
    %dma_start3A_10 = arith.constant 0 : i32
    %dma_start3A_11 = tpu.memref_slice %arg8[%dma_start3A_9, %dma_start3A_10] : memref<4x128xi32, #tpu.memory_space<vmem>> -> memref<1x128xi32, #tpu.memory_space<vmem>>
    %dma_start3A_12 = tpu.memref_squeeze %dma_start3A_11 : memref<1x128xi32, #tpu.memory_space<vmem>> -> memref<128xi32, #tpu.memory_space<vmem>>
    %dma_start3A_13 = arith.constant 0 : i32
    %dma_start3A_14 = arith.constant 0 : i32
    %dma_start3A_15 = tpu.memref_slice %arg5[%dma_start3A_13, %dma_start3A_14] : memref<1000000x128xf32, #tpu.memory_space<hbm>> -> memref<1000000x128xf32, #tpu.memory_space<hbm>>
    tpu.enqueue_indirect_dma source(%dma_start3A_15 : memref<1000000x128xf32, #tpu.memory_space<hbm>>) target(%arg11 : memref<128x128xf32, #tpu.memory_space<vmem>>) offsets(%dma_start3A_12 : memref<128xi32, #tpu.memory_space<vmem>>) semaphore(%arg14 : memref<!tpu.dma_semaphore, #tpu.memory_space<semaphore_mem>>)
    %dma_wait3A = arith.constant 0 : i32
    %dma_wait3A_16 = arith.constant 0 : i32
    %dma_wait3A_17 = tpu.memref_slice %arg7[%dma_wait3A, %dma_wait3A_16] : memref<4x128xi32, #tpu.memory_space<vmem>> -> memref<1x128xi32, #tpu.memory_space<vmem>>
    %dma_wait3A_18 = tpu.memref_squeeze %dma_wait3A_17 : memref<1x128xi32, #tpu.memory_space<vmem>> -> memref<128xi32, #tpu.memory_space<vmem>>
    %dma_wait3A_19 = arith.constant 0 : i32
    %dma_wait3A_20 = arith.constant 0 : i32
    %dma_wait3A_21 = tpu.memref_slice %arg4[%dma_wait3A_19, %dma_wait3A_20] : memref<1000000x128xf32, #tpu.memory_space<hbm>> -> memref<1000000x128xf32, #tpu.memory_space<hbm>>
    tpu.wait_indirect_dma semaphore(%arg14 : memref<!tpu.dma_semaphore, #tpu.memory_space<semaphore_mem>>) src(%dma_wait3A_21 : memref<1000000x128xf32, #tpu.memory_space<hbm>>) dst(%arg9 : memref<128x128xf32, #tpu.memory_space<vmem>>)
    %dma_wait3A_22 = arith.constant 0 : i32
    %dma_wait3A_23 = arith.constant 0 : i32
    %dma_wait3A_24 = tpu.memref_slice %arg8[%dma_wait3A_22, %dma_wait3A_23] : memref<4x128xi32, #tpu.memory_space<vmem>> -> memref<1x128xi32, #tpu.memory_space<vmem>>
    %dma_wait3A_25 = tpu.memref_squeeze %dma_wait3A_24 : memref<1x128xi32, #tpu.memory_space<vmem>> -> memref<128xi32, #tpu.memory_space<vmem>>
    %dma_wait3A_26 = arith.constant 0 : i32
    %dma_wait3A_27 = arith.constant 0 : i32
    %dma_wait3A_28 = tpu.memref_slice %arg5[%dma_wait3A_26, %dma_wait3A_27] : memref<1000000x128xf32, #tpu.memory_space<hbm>> -> memref<1000000x128xf32, #tpu.memory_space<hbm>>
    tpu.wait_indirect_dma semaphore(%arg14 : memref<!tpu.dma_semaphore, #tpu.memory_space<semaphore_mem>>) src(%dma_wait3A_28 : memref<1000000x128xf32, #tpu.memory_space<hbm>>) dst(%arg11 : memref<128x128xf32, #tpu.memory_space<vmem>>)
    %dma_start3A_29 = arith.constant 1 : i32
    %dma_start3A_30 = arith.constant 0 : i32
    %dma_start3A_31 = tpu.memref_slice %arg7[%dma_start3A_29, %dma_start3A_30] : memref<4x128xi32, #tpu.memory_space<vmem>> -> memref<1x128xi32, #tpu.memory_space<vmem>>
    %dma_start3A_32 = tpu.memref_squeeze %dma_start3A_31 : memref<1x128xi32, #tpu.memory_space<vmem>> -> memref<128xi32, #tpu.memory_space<vmem>>
    %dma_start3A_33 = arith.constant 0 : i32
    %dma_start3A_34 = arith.constant 0 : i32
    %dma_start3A_35 = tpu.memref_slice %arg4[%dma_start3A_33, %dma_start3A_34] : memref<1000000x128xf32, #tpu.memory_space<hbm>> -> memref<1000000x128xf32, #tpu.memory_space<hbm>>
    tpu.enqueue_indirect_dma source(%dma_start3A_35 : memref<1000000x128xf32, #tpu.memory_space<hbm>>) target(%arg10 : memref<128x128xf32, #tpu.memory_space<vmem>>) offsets(%dma_start3A_32 : memref<128xi32, #tpu.memory_space<vmem>>) semaphore(%arg15 : memref<!tpu.dma_semaphore, #tpu.memory_space<semaphore_mem>>)
    %dma_start3A_36 = arith.constant 1 : i32
    %dma_start3A_37 = arith.constant 0 : i32
    %dma_start3A_38 = tpu.memref_slice %arg8[%dma_start3A_36, %dma_start3A_37] : memref<4x128xi32, #tpu.memory_space<vmem>> -> memref<1x128xi32, #tpu.memory_space<vmem>>
    %dma_start3A_39 = tpu.memref_squeeze %dma_start3A_38 : memref<1x128xi32, #tpu.memory_space<vmem>> -> memref<128xi32, #tpu.memory_space<vmem>>
    %dma_start3A_40 = arith.constant 0 : i32
    %dma_start3A_41 = arith.constant 0 : i32
    %dma_start3A_42 = tpu.memref_slice %arg5[%dma_start3A_40, %dma_start3A_41] : memref<1000000x128xf32, #tpu.memory_space<hbm>> -> memref<1000000x128xf32, #tpu.memory_space<hbm>>
    tpu.enqueue_indirect_dma source(%dma_start3A_42 : memref<1000000x128xf32, #tpu.memory_space<hbm>>) target(%arg12 : memref<128x128xf32, #tpu.memory_space<vmem>>) offsets(%dma_start3A_39 : memref<128xi32, #tpu.memory_space<vmem>>) semaphore(%arg15 : memref<!tpu.dma_semaphore, #tpu.memory_space<semaphore_mem>>)
    %scan3A = arith.constant 0 : i32
    %scan3A_43 = arith.constant 0 : i32
    %scan3A_44 = arith.constant 8 : i32
    %scan3A_45 = arith.addi %scan3A_43, %scan3A_44 : i32
    %scan3A_46 = arith.constant 1 : i32
    %scan3A_47 = scf.for %scan3A_140 = %scan3A_43 to %scan3A_45 step %scan3A_46 iter_args(%scan3A_141 = %scan3A) -> (i32)  : i32 {
      %mul3A_142 = arith.constant 16 : i32
      %mul3A_143 = arith.muli %scan3A_140, %mul3A_142 : i32
      %add3A_144 = vector.broadcast %mul3A_143 : i32 to vector<16xi32>
      %add3A_145 = arith.addi %iota3A, %add3A_144 : vector<16xi32>
      %broadcast_in_dim3A = arith.constant 0.000000e+00 : f32
      %broadcast_in_dim3A_146 = vector.broadcast %broadcast_in_dim3A : f32 to vector<16xf32>
      %scan3A_147 = arith.constant 0 : i32
      %scan3A_148 = arith.constant 128 : i32
      %scan3A_149 = arith.addi %scan3A_147, %scan3A_148 : i32
      %scan3A_150 = arith.constant 8 : i32
      %scan3A_151:4 = scf.for %scan3A_193 = %scan3A_147 to %scan3A_149 step %scan3A_150 iter_args(%scan3A_194 = %iota3A, %scan3A_195 = %broadcast_in_dim3A_146, %scan3A_196 = %broadcast_in_dim3A_146, %scan3A_197 = %broadcast_in_dim3A_146) -> (vector<16xi32>, vector<16xf32>, vector<16xf32>, vector<16xf32>)  : i32 {
        %gather3A = tpu.vector_load_idx %arg9[%add3A_145, %scan3A_194] : memref<128x128xf32, #tpu.memory_space<vmem>>[vector<16xi32>, vector<16xi32>], vector<16xf32>,
        %gather3A_198 = tpu.vector_load_idx %arg11[%add3A_145, %scan3A_194] : memref<128x128xf32, #tpu.memory_space<vmem>>[vector<16xi32>, vector<16xi32>], vector<16xf32>,
        %add3A_199 = arith.constant 1 : i32
        %add3A_200 = vector.broadcast %add3A_199 : i32 to vector<16xi32>
        %add3A_201 = arith.addi %scan3A_194, %add3A_200 : vector<16xi32>
        %and3A = arith.constant 127 : i32
        %and3A_202 = vector.broadcast %and3A : i32 to vector<16xi32>
        %and3A_203 = arith.andi %add3A_201, %and3A_202 : vector<16xi32>
        %mul3A_204 = arith.mulf %gather3A, %gather3A_198 : vector<16xf32>
        %add3A_205 = arith.addf %scan3A_195, %mul3A_204 : vector<16xf32>
        %mul3A_206 = arith.mulf %gather3A, %gather3A : vector<16xf32>
        %add3A_207 = arith.addf %scan3A_196, %mul3A_206 : vector<16xf32>
        %mul3A_208 = arith.mulf %gather3A_198, %gather3A_198 : vector<16xf32>
        %add3A_209 = arith.addf %scan3A_197, %mul3A_208 : vector<16xf32>
        %scan3A_210 = arith.constant 1 : i32
        %scan3A_211 = arith.addi %scan3A_193, %scan3A_210 : i32
        %gather3A_212 = tpu.vector_load_idx %arg9[%add3A_145, %and3A_203] : memref<128x128xf32, #tpu.memory_space<vmem>>[vector<16xi32>, vector<16xi32>], vector<16xf32>,
        %gather3A_213 = tpu.vector_load_idx %arg11[%add3A_145, %and3A_203] : memref<128x128xf32, #tpu.memory_space<vmem>>[vector<16xi32>, vector<16xi32>], vector<16xf32>,
        %add3A_214 = arith.constant 1 : i32
        %add3A_215 = vector.broadcast %add3A_214 : i32 to vector<16xi32>
        %add3A_216 = arith.addi %and3A_203, %add3A_215 : vector<16xi32>
        %and3A_217 = arith.constant 127 : i32
        %and3A_218 = vector.broadcast %and3A_217 : i32 to vector<16xi32>
        %and3A_219 = arith.andi %add3A_216, %and3A_218 : vector<16xi32>
        %mul3A_220 = arith.mulf %gather3A_212, %gather3A_213 : vector<16xf32>
        %add3A_221 = arith.addf %add3A_205, %mul3A_220 : vector<16xf32>
        %mul3A_222 = arith.mulf %gather3A_212, %gather3A_212 : vector<16xf32>
        %add3A_223 = arith.addf %add3A_207, %mul3A_222 : vector<16xf32>
        %mul3A_224 = arith.mulf %gather3A_213, %gather3A_213 : vector<16xf32>
        %add3A_225 = arith.addf %add3A_209, %mul3A_224 : vector<16xf32>
        %scan3A_226 = arith.constant 2 : i32
        %scan3A_227 = arith.addi %scan3A_193, %scan3A_226 : i32
        %gather3A_228 = tpu.vector_load_idx %arg9[%add3A_145, %and3A_219] : memref<128x128xf32, #tpu.memory_space<vmem>>[vector<16xi32>, vector<16xi32>], vector<16xf32>,
        %gather3A_229 = tpu.vector_load_idx %arg11[%add3A_145, %and3A_219] : memref<128x128xf32, #tpu.memory_space<vmem>>[vector<16xi32>, vector<16xi32>], vector<16xf32>,
        %add3A_230 = arith.constant 1 : i32
        %add3A_231 = vector.broadcast %add3A_230 : i32 to vector<16xi32>
        %add3A_232 = arith.addi %and3A_219, %add3A_231 : vector<16xi32>
        %and3A_233 = arith.constant 127 : i32
        %and3A_234 = vector.broadcast %and3A_233 : i32 to vector<16xi32>
        %and3A_235 = arith.andi %add3A_232, %and3A_234 : vector<16xi32>
        %mul3A_236 = arith.mulf %gather3A_228, %gather3A_229 : vector<16xf32>
        %add3A_237 = arith.addf %add3A_221, %mul3A_236 : vector<16xf32>
        %mul3A_238 = arith.mulf %gather3A_228, %gather3A_228 : vector<16xf32>
        %add3A_239 = arith.addf %add3A_223, %mul3A_238 : vector<16xf32>
        %mul3A_240 = arith.mulf %gather3A_229, %gather3A_229 : vector<16xf32>
        %add3A_241 = arith.addf %add3A_225, %mul3A_240 : vector<16xf32>
        %scan3A_242 = arith.constant 3 : i32
        %scan3A_243 = arith.addi %scan3A_193, %scan3A_242 : i32
        %gather3A_244 = tpu.vector_load_idx %arg9[%add3A_145, %and3A_235] : memref<128x128xf32, #tpu.memory_space<vmem>>[vector<16xi32>, vector<16xi32>], vector<16xf32>,
        %gather3A_245 = tpu.vector_load_idx %arg11[%add3A_145, %and3A_235] : memref<128x128xf32, #tpu.memory_space<vmem>>[vector<16xi32>, vector<16xi32>], vector<16xf32>,
        %add3A_246 = arith.constant 1 : i32
        %add3A_247 = vector.broadcast %add3A_246 : i32 to vector<16xi32>
        %add3A_248 = arith.addi %and3A_235, %add3A_247 : vector<16xi32>
        %and3A_249 = arith.constant 127 : i32
        %and3A_250 = vector.broadcast %and3A_249 : i32 to vector<16xi32>
        %and3A_251 = arith.andi %add3A_248, %and3A_250 : vector<16xi32>
        %mul3A_252 = arith.mulf %gather3A_244, %gather3A_245 : vector<16xf32>
        %add3A_253 = arith.addf %add3A_237, %mul3A_252 : vector<16xf32>
        %mul3A_254 = arith.mulf %gather3A_244, %gather3A_244 : vector<16xf32>
        %add3A_255 = arith.addf %add3A_239, %mul3A_254 : vector<16xf32>
        %mul3A_256 = arith.mulf %gather3A_245, %gather3A_245 : vector<16xf32>
        %add3A_257 = arith.addf %add3A_241, %mul3A_256 : vector<16xf32>
        %scan3A_258 = arith.constant 4 : i32
        %scan3A_259 = arith.addi %scan3A_193, %scan3A_258 : i32
        %gather3A_260 = tpu.vector_load_idx %arg9[%add3A_145, %and3A_251] : memref<128x128xf32, #tpu.memory_space<vmem>>[vector<16xi32>, vector<16xi32>], vector<16xf32>,
        %gather3A_261 = tpu.vector_load_idx %arg11[%add3A_145, %and3A_251] : memref<128x128xf32, #tpu.memory_space<vmem>>[vector<16xi32>, vector<16xi32>], vector<16xf32>,
        %add3A_262 = arith.constant 1 : i32
        %add3A_263 = vector.broadcast %add3A_262 : i32 to vector<16xi32>
        %add3A_264 = arith.addi %and3A_251, %add3A_263 : vector<16xi32>
        %and3A_265 = arith.constant 127 : i32
        %and3A_266 = vector.broadcast %and3A_265 : i32 to vector<16xi32>
        %and3A_267 = arith.andi %add3A_264, %and3A_266 : vector<16xi32>
        %mul3A_268 = arith.mulf %gather3A_260, %gather3A_261 : vector<16xf32>
        %add3A_269 = arith.addf %add3A_253, %mul3A_268 : vector<16xf32>
        %mul3A_270 = arith.mulf %gather3A_260, %gather3A_260 : vector<16xf32>
        %add3A_271 = arith.addf %add3A_255, %mul3A_270 : vector<16xf32>
        %mul3A_272 = arith.mulf %gather3A_261, %gather3A_261 : vector<16xf32>
        %add3A_273 = arith.addf %add3A_257, %mul3A_272 : vector<16xf32>
        %scan3A_274 = arith.constant 5 : i32
        %scan3A_275 = arith.addi %scan3A_193, %scan3A_274 : i32
        %gather3A_276 = tpu.vector_load_idx %arg9[%add3A_145, %and3A_267] : memref<128x128xf32, #tpu.memory_space<vmem>>[vector<16xi32>, vector<16xi32>], vector<16xf32>,
        %gather3A_277 = tpu.vector_load_idx %arg11[%add3A_145, %and3A_267] : memref<128x128xf32, #tpu.memory_space<vmem>>[vector<16xi32>, vector<16xi32>], vector<16xf32>,
        %add3A_278 = arith.constant 1 : i32
        %add3A_279 = vector.broadcast %add3A_278 : i32 to vector<16xi32>
        %add3A_280 = arith.addi %and3A_267, %add3A_279 : vector<16xi32>
        %and3A_281 = arith.constant 127 : i32
        %and3A_282 = vector.broadcast %and3A_281 : i32 to vector<16xi32>
        %and3A_283 = arith.andi %add3A_280, %and3A_282 : vector<16xi32>
        %mul3A_284 = arith.mulf %gather3A_276, %gather3A_277 : vector<16xf32>
        %add3A_285 = arith.addf %add3A_269, %mul3A_284 : vector<16xf32>
        %mul3A_286 = arith.mulf %gather3A_276, %gather3A_276 : vector<16xf32>
        %add3A_287 = arith.addf %add3A_271, %mul3A_286 : vector<16xf32>
        %mul3A_288 = arith.mulf %gather3A_277, %gather3A_277 : vector<16xf32>
        %add3A_289 = arith.addf %add3A_273, %mul3A_288 : vector<16xf32>
        %scan3A_290 = arith.constant 6 : i32
        %scan3A_291 = arith.addi %scan3A_193, %scan3A_290 : i32
        %gather3A_292 = tpu.vector_load_idx %arg9[%add3A_145, %and3A_283] : memref<128x128xf32, #tpu.memory_space<vmem>>[vector<16xi32>, vector<16xi32>], vector<16xf32>,
        %gather3A_293 = tpu.vector_load_idx %arg11[%add3A_145, %and3A_283] : memref<128x128xf32, #tpu.memory_space<vmem>>[vector<16xi32>, vector<16xi32>], vector<16xf32>,
        %add3A_294 = arith.constant 1 : i32
        %add3A_295 = vector.broadcast %add3A_294 : i32 to vector<16xi32>
        %add3A_296 = arith.addi %and3A_283, %add3A_295 : vector<16xi32>
        %and3A_297 = arith.constant 127 : i32
        %and3A_298 = vector.broadcast %and3A_297 : i32 to vector<16xi32>
        %and3A_299 = arith.andi %add3A_296, %and3A_298 : vector<16xi32>
        %mul3A_300 = arith.mulf %gather3A_292, %gather3A_293 : vector<16xf32>
        %add3A_301 = arith.addf %add3A_285, %mul3A_300 : vector<16xf32>
        %mul3A_302 = arith.mulf %gather3A_292, %gather3A_292 : vector<16xf32>
        %add3A_303 = arith.addf %add3A_287, %mul3A_302 : vector<16xf32>
        %mul3A_304 = arith.mulf %gather3A_293, %gather3A_293 : vector<16xf32>
        %add3A_305 = arith.addf %add3A_289, %mul3A_304 : vector<16xf32>
        %scan3A_306 = arith.constant 7 : i32
        %scan3A_307 = arith.addi %scan3A_193, %scan3A_306 : i32
        %gather3A_308 = tpu.vector_load_idx %arg9[%add3A_145, %and3A_299] : memref<128x128xf32, #tpu.memory_space<vmem>>[vector<16xi32>, vector<16xi32>], vector<16xf32>,
        %gather3A_309 = tpu.vector_load_idx %arg11[%add3A_145, %and3A_299] : memref<128x128xf32, #tpu.memory_space<vmem>>[vector<16xi32>, vector<16xi32>], vector<16xf32>,
        %add3A_310 = arith.constant 1 : i32
        %add3A_311 = vector.broadcast %add3A_310 : i32 to vector<16xi32>
        %add3A_312 = arith.addi %and3A_299, %add3A_311 : vector<16xi32>
        %and3A_313 = arith.constant 127 : i32
        %and3A_314 = vector.broadcast %and3A_313 : i32 to vector<16xi32>
        %and3A_315 = arith.andi %add3A_312, %and3A_314 : vector<16xi32>
        %mul3A_316 = arith.mulf %gather3A_308, %gather3A_309 : vector<16xf32>
        %add3A_317 = arith.addf %add3A_301, %mul3A_316 : vector<16xf32>
        %mul3A_318 = arith.mulf %gather3A_308, %gather3A_308 : vector<16xf32>
        %add3A_319 = arith.addf %add3A_303, %mul3A_318 : vector<16xf32>
        %mul3A_320 = arith.mulf %gather3A_309, %gather3A_309 : vector<16xf32>
        %add3A_321 = arith.addf %add3A_305, %mul3A_320 : vector<16xf32>
        scf.yield %and3A_315, %add3A_317, %add3A_319, %add3A_321 : vector<16xi32>, vector<16xf32>, vector<16xf32>, vector<16xf32>
      }
      %scan3A_152 = arith.constant 128 : i32
      %mul3A_153 = arith.mulf %scan3A_151#2, %scan3A_151#3 : vector<16xf32>
      %bitcast3A = vector.bitcast %mul3A_153 : vector<16xf32> to vector<16xi32>
      %shift_right_arithmetic3A = arith.constant 1 : i32
      %shift_right_arithmetic3A_154 = vector.broadcast %shift_right_arithmetic3A : i32 to vector<16xi32>
      %shift_right_arithmetic3A_155 = arith.shrsi %bitcast3A, %shift_right_arithmetic3A_154 : vector<16xi32>
      %sub3A = arith.constant 1597463007 : i32
      %sub3A_156 = vector.broadcast %sub3A : i32 to vector<16xi32>
      %sub3A_157 = arith.subi %sub3A_156, %shift_right_arithmetic3A_155 : vector<16xi32>
      %bitcast3A_158 = vector.bitcast %sub3A_157 : vector<16xi32> to vector<16xf32>
      %mul3A_159 = arith.constant 5.000000e-01 : f32
      %mul3A_160 = vector.broadcast %mul3A_159 : f32 to vector<16xf32>
      %mul3A_161 = arith.mulf %mul3A_160, %mul3A_153 : vector<16xf32>
      %mul3A_162 = arith.mulf %mul3A_161, %bitcast3A_158 : vector<16xf32>
      %mul3A_163 = arith.mulf %mul3A_162, %bitcast3A_158 : vector<16xf32>
      %sub3A_164 = arith.constant 1.500000e+00 : f32
      %sub3A_165 = vector.broadcast %sub3A_164 : f32 to vector<16xf32>
      %sub3A_166 = arith.subf %sub3A_165, %mul3A_163 : vector<16xf32>
      %mul3A_167 = arith.mulf %bitcast3A_158, %sub3A_166 : vector<16xf32>
      %mul3A_168 = arith.constant 5.000000e-01 : f32
      %mul3A_169 = vector.broadcast %mul3A_168 : f32 to vector<16xf32>
      %mul3A_170 = arith.mulf %mul3A_169, %mul3A_153 : vector<16xf32>
      %mul3A_171 = arith.mulf %mul3A_170, %mul3A_167 : vector<16xf32>
      %mul3A_172 = arith.mulf %mul3A_171, %mul3A_167 : vector<16xf32>
      %sub3A_173 = arith.constant 1.500000e+00 : f32
      %sub3A_174 = vector.broadcast %sub3A_173 : f32 to vector<16xf32>
      %sub3A_175 = arith.subf %sub3A_174, %mul3A_172 : vector<16xf32>
      %mul3A_176 = arith.mulf %mul3A_167, %sub3A_175 : vector<16xf32>
      %mul3A_177 = arith.constant 5.000000e-01 : f32
      %mul3A_178 = vector.broadcast %mul3A_177 : f32 to vector<16xf32>
      %mul3A_179 = arith.mulf %mul3A_178, %mul3A_153 : vector<16xf32>
      %mul3A_180 = arith.mulf %mul3A_179, %mul3A_176 : vector<16xf32>
      %mul3A_181 = arith.mulf %mul3A_180, %mul3A_176 : vector<16xf32>
      %sub3A_182 = arith.constant 1.500000e+00 : f32
      %sub3A_183 = vector.broadcast %sub3A_182 : f32 to vector<16xf32>
      %sub3A_184 = arith.subf %sub3A_183, %mul3A_181 : vector<16xf32>
      %mul3A_185 = arith.mulf %mul3A_176, %sub3A_184 : vector<16xf32>
      %mul3A_186 = arith.mulf %scan3A_151#1, %mul3A_185 : vector<16xf32>
      %mul3A_187 = arith.constant 16 : i32
      %mul3A_188 = arith.muli %scan3A_140, %mul3A_187 : i32
      %swap3A = arith.constant 0 : i32
      %swap3A_189 = arith.index_cast %swap3A : i32 to index
      %swap3A_190 = arith.index_cast %mul3A_188 : i32 to index
      %swap3A_191 = tpu.vector_load %arg13[%swap3A_189, %swap3A_190] {strides = array<i32>} : memref<4x128xf32, #tpu.memory_space<vmem>>, vector<16xf32>,
      tpu.vector_store %arg13[%swap3A_189, %swap3A_190], %mul3A_186 {strides = array<i32>} : memref<4x128xf32, #tpu.memory_space<vmem>>, vector<16xf32>,
      %scan3A_192 = arith.constant 0 : i32
      scf.yield %scan3A_192 : i32
    }
    %scan3A_48 = arith.constant 8 : i32
    %dma_wait3A_49 = arith.constant 1 : i32
    %dma_wait3A_50 = arith.constant 0 : i32
    %dma_wait3A_51 = tpu.memref_slice %arg7[%dma_wait3A_49, %dma_wait3A_50] : memref<4x128xi32, #tpu.memory_space<vmem>> -> memref<1x128xi32, #tpu.memory_space<vmem>>
    %dma_wait3A_52 = tpu.memref_squeeze %dma_wait3A_51 : memref<1x128xi32, #tpu.memory_space<vmem>> -> memref<128xi32, #tpu.memory_space<vmem>>
    %dma_wait3A_53 = arith.constant 0 : i32
    %dma_wait3A_54 = arith.constant 0 : i32
    %dma_wait3A_55 = tpu.memref_slice %arg4[%dma_wait3A_53, %dma_wait3A_54] : memref<1000000x128xf32, #tpu.memory_space<hbm>> -> memref<1000000x128xf32, #tpu.memory_space<hbm>>
    tpu.wait_indirect_dma semaphore(%arg15 : memref<!tpu.dma_semaphore, #tpu.memory_space<semaphore_mem>>) src(%dma_wait3A_55 : memref<1000000x128xf32, #tpu.memory_space<hbm>>) dst(%arg10 : memref<128x128xf32, #tpu.memory_space<vmem>>)
    %dma_wait3A_56 = arith.constant 1 : i32
    %dma_wait3A_57 = arith.constant 0 : i32
    %dma_wait3A_58 = tpu.memref_slice %arg8[%dma_wait3A_56, %dma_wait3A_57] : memref<4x128xi32, #tpu.memory_space<vmem>> -> memref<1x128xi32, #tpu.memory_space<vmem>>
    %dma_wait3A_59 = tpu.memref_squeeze %dma_wait3A_58 : memref<1x128xi32, #tpu.memory_space<vmem>> -> memref<128xi32, #tpu.memory_space<vmem>>
    %dma_wait3A_60 = arith.constant 0 : i32
    %dma_wait3A_61 = arith.constant 0 : i32
    %dma_wait3A_62 = tpu.memref_slice %arg5[%dma_wait3A_60, %dma_wait3A_61] : memref<1000000x128xf32, #tpu.memory_space<hbm>> -> memref<1000000x128xf32, #tpu.memory_space<hbm>>
    tpu.wait_indirect_dma semaphore(%arg15 : memref<!tpu.dma_semaphore, #tpu.memory_space<semaphore_mem>>) src(%dma_wait3A_62 : memref<1000000x128xf32, #tpu.memory_space<hbm>>) dst(%arg12 : memref<128x128xf32, #tpu.memory_space<vmem>>)
    %dma_start3A_63 = arith.constant 2 : i32
    %dma_start3A_64 = arith.constant 0 : i32
    %dma_start3A_65 = tpu.memref_slice %arg7[%dma_start3A_63, %dma_start3A_64] : memref<4x128xi32, #tpu.memory_space<vmem>> -> memref<1x128xi32, #tpu.memory_space<vmem>>
    %dma_start3A_66 = tpu.memref_squeeze %dma_start3A_65 : memref<1x128xi32, #tpu.memory_space<vmem>> -> memref<128xi32, #tpu.memory_space<vmem>>
    %dma_start3A_67 = arith.constant 0 : i32
    %dma_start3A_68 = arith.constant 0 : i32
    %dma_start3A_69 = tpu.memref_slice %arg4[%dma_start3A_67, %dma_start3A_68] : memref<1000000x128xf32, #tpu.memory_space<hbm>> -> memref<1000000x128xf32, #tpu.memory_space<hbm>>
    tpu.enqueue_indirect_dma source(%dma_start3A_69 : memref<1000000x128xf32, #tpu.memory_space<hbm>>) target(%arg9 : memref<128x128xf32, #tpu.memory_space<vmem>>) offsets(%dma_start3A_66 : memref<128xi32, #tpu.memory_space<vmem>>) semaphore(%arg14 : memref<!tpu.dma_semaphore, #tpu.memory_space<semaphore_mem>>)
    %dma_start3A_70 = arith.constant 2 : i32
    %dma_start3A_71 = arith.constant 0 : i32
    %dma_start3A_72 = tpu.memref_slice %arg8[%dma_start3A_70, %dma_start3A_71] : memref<4x128xi32, #tpu.memory_space<vmem>> -> memref<1x128xi32, #tpu.memory_space<vmem>>
    %dma_start3A_73 = tpu.memref_squeeze %dma_start3A_72 : memref<1x128xi32, #tpu.memory_space<vmem>> -> memref<128xi32, #tpu.memory_space<vmem>>
    %dma_start3A_74 = arith.constant 0 : i32
    %dma_start3A_75 = arith.constant 0 : i32
    %dma_start3A_76 = tpu.memref_slice %arg5[%dma_start3A_74, %dma_start3A_75] : memref<1000000x128xf32, #tpu.memory_space<hbm>> -> memref<1000000x128xf32, #tpu.memory_space<hbm>>
    tpu.enqueue_indirect_dma source(%dma_start3A_76 : memref<1000000x128xf32, #tpu.memory_space<hbm>>) target(%arg11 : memref<128x128xf32, #tpu.memory_space<vmem>>) offsets(%dma_start3A_73 : memref<128xi32, #tpu.memory_space<vmem>>) semaphore(%arg14 : memref<!tpu.dma_semaphore, #tpu.memory_space<semaphore_mem>>)
    %scan3A_77 = arith.constant 0 : i32
    %scan3A_78 = arith.constant 0 : i32
    %scan3A_79 = arith.constant 8 : i32
    %scan3A_80 = arith.addi %scan3A_78, %scan3A_79 : i32
    %scan3A_81 = arith.constant 1 : i32
    %scan3A_82 = scf.for %scan3A_140 = %scan3A_78 to %scan3A_80 step %scan3A_81 iter_args(%scan3A_141 = %scan3A_77) -> (i32)  : i32 {
      %mul3A_142 = arith.constant 16 : i32
      %mul3A_143 = arith.muli %scan3A_140, %mul3A_142 : i32
      %add3A_144 = vector.broadcast %mul3A_143 : i32 to vector<16xi32>
      %add3A_145 = arith.addi %iota3A, %add3A_144 : vector<16xi32>
      %broadcast_in_dim3A = arith.constant 0.000000e+00 : f32
      %broadcast_in_dim3A_146 = vector.broadcast %broadcast_in_dim3A : f32 to vector<16xf32>
      %scan3A_147 = arith.constant 0 : i32
      %scan3A_148 = arith.constant 128 : i32
      %scan3A_149 = arith.addi %scan3A_147, %scan3A_148 : i32
      %scan3A_150 = arith.constant 8 : i32
      %scan3A_151:4 = scf.for %scan3A_193 = %scan3A_147 to %scan3A_149 step %scan3A_150 iter_args(%scan3A_194 = %iota3A, %scan3A_195 = %broadcast_in_dim3A_146, %scan3A_196 = %broadcast_in_dim3A_146, %scan3A_197 = %broadcast_in_dim3A_146) -> (vector<16xi32>, vector<16xf32>, vector<16xf32>, vector<16xf32>)  : i32 {
        %gather3A = tpu.vector_load_idx %arg10[%add3A_145, %scan3A_194] : memref<128x128xf32, #tpu.memory_space<vmem>>[vector<16xi32>, vector<16xi32>], vector<16xf32>,
        %gather3A_198 = tpu.vector_load_idx %arg12[%add3A_145, %scan3A_194] : memref<128x128xf32, #tpu.memory_space<vmem>>[vector<16xi32>, vector<16xi32>], vector<16xf32>,
        %add3A_199 = arith.constant 1 : i32
        %add3A_200 = vector.broadcast %add3A_199 : i32 to vector<16xi32>
        %add3A_201 = arith.addi %scan3A_194, %add3A_200 : vector<16xi32>
        %and3A = arith.constant 127 : i32
        %and3A_202 = vector.broadcast %and3A : i32 to vector<16xi32>
        %and3A_203 = arith.andi %add3A_201, %and3A_202 : vector<16xi32>
        %mul3A_204 = arith.mulf %gather3A, %gather3A_198 : vector<16xf32>
        %add3A_205 = arith.addf %scan3A_195, %mul3A_204 : vector<16xf32>
        %mul3A_206 = arith.mulf %gather3A, %gather3A : vector<16xf32>
        %add3A_207 = arith.addf %scan3A_196, %mul3A_206 : vector<16xf32>
        %mul3A_208 = arith.mulf %gather3A_198, %gather3A_198 : vector<16xf32>
        %add3A_209 = arith.addf %scan3A_197, %mul3A_208 : vector<16xf32>
        %scan3A_210 = arith.constant 1 : i32
        %scan3A_211 = arith.addi %scan3A_193, %scan3A_210 : i32
        %gather3A_212 = tpu.vector_load_idx %arg10[%add3A_145, %and3A_203] : memref<128x128xf32, #tpu.memory_space<vmem>>[vector<16xi32>, vector<16xi32>], vector<16xf32>,
        %gather3A_213 = tpu.vector_load_idx %arg12[%add3A_145, %and3A_203] : memref<128x128xf32, #tpu.memory_space<vmem>>[vector<16xi32>, vector<16xi32>], vector<16xf32>,
        %add3A_214 = arith.constant 1 : i32
        %add3A_215 = vector.broadcast %add3A_214 : i32 to vector<16xi32>
        %add3A_216 = arith.addi %and3A_203, %add3A_215 : vector<16xi32>
        %and3A_217 = arith.constant 127 : i32
        %and3A_218 = vector.broadcast %and3A_217 : i32 to vector<16xi32>
        %and3A_219 = arith.andi %add3A_216, %and3A_218 : vector<16xi32>
        %mul3A_220 = arith.mulf %gather3A_212, %gather3A_213 : vector<16xf32>
        %add3A_221 = arith.addf %add3A_205, %mul3A_220 : vector<16xf32>
        %mul3A_222 = arith.mulf %gather3A_212, %gather3A_212 : vector<16xf32>
        %add3A_223 = arith.addf %add3A_207, %mul3A_222 : vector<16xf32>
        %mul3A_224 = arith.mulf %gather3A_213, %gather3A_213 : vector<16xf32>
        %add3A_225 = arith.addf %add3A_209, %mul3A_224 : vector<16xf32>
        %scan3A_226 = arith.constant 2 : i32
        %scan3A_227 = arith.addi %scan3A_193, %scan3A_226 : i32
        %gather3A_228 = tpu.vector_load_idx %arg10[%add3A_145, %and3A_219] : memref<128x128xf32, #tpu.memory_space<vmem>>[vector<16xi32>, vector<16xi32>], vector<16xf32>,
        %gather3A_229 = tpu.vector_load_idx %arg12[%add3A_145, %and3A_219] : memref<128x128xf32, #tpu.memory_space<vmem>>[vector<16xi32>, vector<16xi32>], vector<16xf32>,
        %add3A_230 = arith.constant 1 : i32
        %add3A_231 = vector.broadcast %add3A_230 : i32 to vector<16xi32>
        %add3A_232 = arith.addi %and3A_219, %add3A_231 : vector<16xi32>
        %and3A_233 = arith.constant 127 : i32
        %and3A_234 = vector.broadcast %and3A_233 : i32 to vector<16xi32>
        %and3A_235 = arith.andi %add3A_232, %and3A_234 : vector<16xi32>
        %mul3A_236 = arith.mulf %gather3A_228, %gather3A_229 : vector<16xf32>
        %add3A_237 = arith.addf %add3A_221, %mul3A_236 : vector<16xf32>
        %mul3A_238 = arith.mulf %gather3A_228, %gather3A_228 : vector<16xf32>
        %add3A_239 = arith.addf %add3A_223, %mul3A_238 : vector<16xf32>
        %mul3A_240 = arith.mulf %gather3A_229, %gather3A_229 : vector<16xf32>
        %add3A_241 = arith.addf %add3A_225, %mul3A_240 : vector<16xf32>
        %scan3A_242 = arith.constant 3 : i32
        %scan3A_243 = arith.addi %scan3A_193, %scan3A_242 : i32
        %gather3A_244 = tpu.vector_load_idx %arg10[%add3A_145, %and3A_235] : memref<128x128xf32, #tpu.memory_space<vmem>>[vector<16xi32>, vector<16xi32>], vector<16xf32>,
        %gather3A_245 = tpu.vector_load_idx %arg12[%add3A_145, %and3A_235] : memref<128x128xf32, #tpu.memory_space<vmem>>[vector<16xi32>, vector<16xi32>], vector<16xf32>,
        %add3A_246 = arith.constant 1 : i32
        %add3A_247 = vector.broadcast %add3A_246 : i32 to vector<16xi32>
        %add3A_248 = arith.addi %and3A_235, %add3A_247 : vector<16xi32>
        %and3A_249 = arith.constant 127 : i32
        %and3A_250 = vector.broadcast %and3A_249 : i32 to vector<16xi32>
        %and3A_251 = arith.andi %add3A_248, %and3A_250 : vector<16xi32>
        %mul3A_252 = arith.mulf %gather3A_244, %gather3A_245 : vector<16xf32>
        %add3A_253 = arith.addf %add3A_237, %mul3A_252 : vector<16xf32>
        %mul3A_254 = arith.mulf %gather3A_244, %gather3A_244 : vector<16xf32>
        %add3A_255 = arith.addf %add3A_239, %mul3A_254 : vector<16xf32>
        %mul3A_256 = arith.mulf %gather3A_245, %gather3A_245 : vector<16xf32>
        %add3A_257 = arith.addf %add3A_241, %mul3A_256 : vector<16xf32>
        %scan3A_258 = arith.constant 4 : i32
        %scan3A_259 = arith.addi %scan3A_193, %scan3A_258 : i32
        %gather3A_260 = tpu.vector_load_idx %arg10[%add3A_145, %and3A_251] : memref<128x128xf32, #tpu.memory_space<vmem>>[vector<16xi32>, vector<16xi32>], vector<16xf32>,
        %gather3A_261 = tpu.vector_load_idx %arg12[%add3A_145, %and3A_251] : memref<128x128xf32, #tpu.memory_space<vmem>>[vector<16xi32>, vector<16xi32>], vector<16xf32>,
        %add3A_262 = arith.constant 1 : i32
        %add3A_263 = vector.broadcast %add3A_262 : i32 to vector<16xi32>
        %add3A_264 = arith.addi %and3A_251, %add3A_263 : vector<16xi32>
        %and3A_265 = arith.constant 127 : i32
        %and3A_266 = vector.broadcast %and3A_265 : i32 to vector<16xi32>
        %and3A_267 = arith.andi %add3A_264, %and3A_266 : vector<16xi32>
        %mul3A_268 = arith.mulf %gather3A_260, %gather3A_261 : vector<16xf32>
        %add3A_269 = arith.addf %add3A_253, %mul3A_268 : vector<16xf32>
        %mul3A_270 = arith.mulf %gather3A_260, %gather3A_260 : vector<16xf32>
        %add3A_271 = arith.addf %add3A_255, %mul3A_270 : vector<16xf32>
        %mul3A_272 = arith.mulf %gather3A_261, %gather3A_261 : vector<16xf32>
        %add3A_273 = arith.addf %add3A_257, %mul3A_272 : vector<16xf32>
        %scan3A_274 = arith.constant 5 : i32
        %scan3A_275 = arith.addi %scan3A_193, %scan3A_274 : i32
        %gather3A_276 = tpu.vector_load_idx %arg10[%add3A_145, %and3A_267] : memref<128x128xf32, #tpu.memory_space<vmem>>[vector<16xi32>, vector<16xi32>], vector<16xf32>,
        %gather3A_277 = tpu.vector_load_idx %arg12[%add3A_145, %and3A_267] : memref<128x128xf32, #tpu.memory_space<vmem>>[vector<16xi32>, vector<16xi32>], vector<16xf32>,
        %add3A_278 = arith.constant 1 : i32
        %add3A_279 = vector.broadcast %add3A_278 : i32 to vector<16xi32>
        %add3A_280 = arith.addi %and3A_267, %add3A_279 : vector<16xi32>
        %and3A_281 = arith.constant 127 : i32
        %and3A_282 = vector.broadcast %and3A_281 : i32 to vector<16xi32>
        %and3A_283 = arith.andi %add3A_280, %and3A_282 : vector<16xi32>
        %mul3A_284 = arith.mulf %gather3A_276, %gather3A_277 : vector<16xf32>
        %add3A_285 = arith.addf %add3A_269, %mul3A_284 : vector<16xf32>
        %mul3A_286 = arith.mulf %gather3A_276, %gather3A_276 : vector<16xf32>
        %add3A_287 = arith.addf %add3A_271, %mul3A_286 : vector<16xf32>
        %mul3A_288 = arith.mulf %gather3A_277, %gather3A_277 : vector<16xf32>
        %add3A_289 = arith.addf %add3A_273, %mul3A_288 : vector<16xf32>
        %scan3A_290 = arith.constant 6 : i32
        %scan3A_291 = arith.addi %scan3A_193, %scan3A_290 : i32
        %gather3A_292 = tpu.vector_load_idx %arg10[%add3A_145, %and3A_283] : memref<128x128xf32, #tpu.memory_space<vmem>>[vector<16xi32>, vector<16xi32>], vector<16xf32>,
        %gather3A_293 = tpu.vector_load_idx %arg12[%add3A_145, %and3A_283] : memref<128x128xf32, #tpu.memory_space<vmem>>[vector<16xi32>, vector<16xi32>], vector<16xf32>,
        %add3A_294 = arith.constant 1 : i32
        %add3A_295 = vector.broadcast %add3A_294 : i32 to vector<16xi32>
        %add3A_296 = arith.addi %and3A_283, %add3A_295 : vector<16xi32>
        %and3A_297 = arith.constant 127 : i32
        %and3A_298 = vector.broadcast %and3A_297 : i32 to vector<16xi32>
        %and3A_299 = arith.andi %add3A_296, %and3A_298 : vector<16xi32>
        %mul3A_300 = arith.mulf %gather3A_292, %gather3A_293 : vector<16xf32>
        %add3A_301 = arith.addf %add3A_285, %mul3A_300 : vector<16xf32>
        %mul3A_302 = arith.mulf %gather3A_292, %gather3A_292 : vector<16xf32>
        %add3A_303 = arith.addf %add3A_287, %mul3A_302 : vector<16xf32>
        %mul3A_304 = arith.mulf %gather3A_293, %gather3A_293 : vector<16xf32>
        %add3A_305 = arith.addf %add3A_289, %mul3A_304 : vector<16xf32>
        %scan3A_306 = arith.constant 7 : i32
        %scan3A_307 = arith.addi %scan3A_193, %scan3A_306 : i32
        %gather3A_308 = tpu.vector_load_idx %arg10[%add3A_145, %and3A_299] : memref<128x128xf32, #tpu.memory_space<vmem>>[vector<16xi32>, vector<16xi32>], vector<16xf32>,
        %gather3A_309 = tpu.vector_load_idx %arg12[%add3A_145, %and3A_299] : memref<128x128xf32, #tpu.memory_space<vmem>>[vector<16xi32>, vector<16xi32>], vector<16xf32>,
        %add3A_310 = arith.constant 1 : i32
        %add3A_311 = vector.broadcast %add3A_310 : i32 to vector<16xi32>
        %add3A_312 = arith.addi %and3A_299, %add3A_311 : vector<16xi32>
        %and3A_313 = arith.constant 127 : i32
        %and3A_314 = vector.broadcast %and3A_313 : i32 to vector<16xi32>
        %and3A_315 = arith.andi %add3A_312, %and3A_314 : vector<16xi32>
        %mul3A_316 = arith.mulf %gather3A_308, %gather3A_309 : vector<16xf32>
        %add3A_317 = arith.addf %add3A_301, %mul3A_316 : vector<16xf32>
        %mul3A_318 = arith.mulf %gather3A_308, %gather3A_308 : vector<16xf32>
        %add3A_319 = arith.addf %add3A_303, %mul3A_318 : vector<16xf32>
        %mul3A_320 = arith.mulf %gather3A_309, %gather3A_309 : vector<16xf32>
        %add3A_321 = arith.addf %add3A_305, %mul3A_320 : vector<16xf32>
        scf.yield %and3A_315, %add3A_317, %add3A_319, %add3A_321 : vector<16xi32>, vector<16xf32>, vector<16xf32>, vector<16xf32>
      }
      %scan3A_152 = arith.constant 128 : i32
      %mul3A_153 = arith.mulf %scan3A_151#2, %scan3A_151#3 : vector<16xf32>
      %bitcast3A = vector.bitcast %mul3A_153 : vector<16xf32> to vector<16xi32>
      %shift_right_arithmetic3A = arith.constant 1 : i32
      %shift_right_arithmetic3A_154 = vector.broadcast %shift_right_arithmetic3A : i32 to vector<16xi32>
      %shift_right_arithmetic3A_155 = arith.shrsi %bitcast3A, %shift_right_arithmetic3A_154 : vector<16xi32>
      %sub3A = arith.constant 1597463007 : i32
      %sub3A_156 = vector.broadcast %sub3A : i32 to vector<16xi32>
      %sub3A_157 = arith.subi %sub3A_156, %shift_right_arithmetic3A_155 : vector<16xi32>
      %bitcast3A_158 = vector.bitcast %sub3A_157 : vector<16xi32> to vector<16xf32>
      %mul3A_159 = arith.constant 5.000000e-01 : f32
      %mul3A_160 = vector.broadcast %mul3A_159 : f32 to vector<16xf32>
      %mul3A_161 = arith.mulf %mul3A_160, %mul3A_153 : vector<16xf32>
      %mul3A_162 = arith.mulf %mul3A_161, %bitcast3A_158 : vector<16xf32>
      %mul3A_163 = arith.mulf %mul3A_162, %bitcast3A_158 : vector<16xf32>
      %sub3A_164 = arith.constant 1.500000e+00 : f32
      %sub3A_165 = vector.broadcast %sub3A_164 : f32 to vector<16xf32>
      %sub3A_166 = arith.subf %sub3A_165, %mul3A_163 : vector<16xf32>
      %mul3A_167 = arith.mulf %bitcast3A_158, %sub3A_166 : vector<16xf32>
      %mul3A_168 = arith.constant 5.000000e-01 : f32
      %mul3A_169 = vector.broadcast %mul3A_168 : f32 to vector<16xf32>
      %mul3A_170 = arith.mulf %mul3A_169, %mul3A_153 : vector<16xf32>
      %mul3A_171 = arith.mulf %mul3A_170, %mul3A_167 : vector<16xf32>
      %mul3A_172 = arith.mulf %mul3A_171, %mul3A_167 : vector<16xf32>
      %sub3A_173 = arith.constant 1.500000e+00 : f32
      %sub3A_174 = vector.broadcast %sub3A_173 : f32 to vector<16xf32>
      %sub3A_175 = arith.subf %sub3A_174, %mul3A_172 : vector<16xf32>
      %mul3A_176 = arith.mulf %mul3A_167, %sub3A_175 : vector<16xf32>
      %mul3A_177 = arith.constant 5.000000e-01 : f32
      %mul3A_178 = vector.broadcast %mul3A_177 : f32 to vector<16xf32>
      %mul3A_179 = arith.mulf %mul3A_178, %mul3A_153 : vector<16xf32>
      %mul3A_180 = arith.mulf %mul3A_179, %mul3A_176 : vector<16xf32>
      %mul3A_181 = arith.mulf %mul3A_180, %mul3A_176 : vector<16xf32>
      %sub3A_182 = arith.constant 1.500000e+00 : f32
      %sub3A_183 = vector.broadcast %sub3A_182 : f32 to vector<16xf32>
      %sub3A_184 = arith.subf %sub3A_183, %mul3A_181 : vector<16xf32>
      %mul3A_185 = arith.mulf %mul3A_176, %sub3A_184 : vector<16xf32>
      %mul3A_186 = arith.mulf %scan3A_151#1, %mul3A_185 : vector<16xf32>
      %mul3A_187 = arith.constant 16 : i32
      %mul3A_188 = arith.muli %scan3A_140, %mul3A_187 : i32
      %swap3A = arith.constant 1 : i32
      %swap3A_189 = arith.index_cast %swap3A : i32 to index
      %swap3A_190 = arith.index_cast %mul3A_188 : i32 to index
      %swap3A_191 = tpu.vector_load %arg13[%swap3A_189, %swap3A_190] {strides = array<i32>} : memref<4x128xf32, #tpu.memory_space<vmem>>, vector<16xf32>,
      tpu.vector_store %arg13[%swap3A_189, %swap3A_190], %mul3A_186 {strides = array<i32>} : memref<4x128xf32, #tpu.memory_space<vmem>>, vector<16xf32>,
      %scan3A_192 = arith.constant 0 : i32
      scf.yield %scan3A_192 : i32
    }
    %scan3A_83 = arith.constant 8 : i32
    %dma_wait3A_84 = arith.constant 2 : i32
    %dma_wait3A_85 = arith.constant 0 : i32
    %dma_wait3A_86 = tpu.memref_slice %arg7[%dma_wait3A_84, %dma_wait3A_85] : memref<4x128xi32, #tpu.memory_space<vmem>> -> memref<1x128xi32, #tpu.memory_space<vmem>>
    %dma_wait3A_87 = tpu.memref_squeeze %dma_wait3A_86 : memref<1x128xi32, #tpu.memory_space<vmem>> -> memref<128xi32, #tpu.memory_space<vmem>>
    %dma_wait3A_88 = arith.constant 0 : i32
    %dma_wait3A_89 = arith.constant 0 : i32
    %dma_wait3A_90 = tpu.memref_slice %arg4[%dma_wait3A_88, %dma_wait3A_89] : memref<1000000x128xf32, #tpu.memory_space<hbm>> -> memref<1000000x128xf32, #tpu.memory_space<hbm>>
    tpu.wait_indirect_dma semaphore(%arg14 : memref<!tpu.dma_semaphore, #tpu.memory_space<semaphore_mem>>) src(%dma_wait3A_90 : memref<1000000x128xf32, #tpu.memory_space<hbm>>) dst(%arg9 : memref<128x128xf32, #tpu.memory_space<vmem>>)
    %dma_wait3A_91 = arith.constant 2 : i32
    %dma_wait3A_92 = arith.constant 0 : i32
    %dma_wait3A_93 = tpu.memref_slice %arg8[%dma_wait3A_91, %dma_wait3A_92] : memref<4x128xi32, #tpu.memory_space<vmem>> -> memref<1x128xi32, #tpu.memory_space<vmem>>
    %dma_wait3A_94 = tpu.memref_squeeze %dma_wait3A_93 : memref<1x128xi32, #tpu.memory_space<vmem>> -> memref<128xi32, #tpu.memory_space<vmem>>
    %dma_wait3A_95 = arith.constant 0 : i32
    %dma_wait3A_96 = arith.constant 0 : i32
    %dma_wait3A_97 = tpu.memref_slice %arg5[%dma_wait3A_95, %dma_wait3A_96] : memref<1000000x128xf32, #tpu.memory_space<hbm>> -> memref<1000000x128xf32, #tpu.memory_space<hbm>>
    tpu.wait_indirect_dma semaphore(%arg14 : memref<!tpu.dma_semaphore, #tpu.memory_space<semaphore_mem>>) src(%dma_wait3A_97 : memref<1000000x128xf32, #tpu.memory_space<hbm>>) dst(%arg11 : memref<128x128xf32, #tpu.memory_space<vmem>>)
    %dma_start3A_98 = arith.constant 3 : i32
    %dma_start3A_99 = arith.constant 0 : i32
    %dma_start3A_100 = tpu.memref_slice %arg7[%dma_start3A_98, %dma_start3A_99] : memref<4x128xi32, #tpu.memory_space<vmem>> -> memref<1x128xi32, #tpu.memory_space<vmem>>
    %dma_start3A_101 = tpu.memref_squeeze %dma_start3A_100 : memref<1x128xi32, #tpu.memory_space<vmem>> -> memref<128xi32, #tpu.memory_space<vmem>>
    %dma_start3A_102 = arith.constant 0 : i32
    %dma_start3A_103 = arith.constant 0 : i32
    %dma_start3A_104 = tpu.memref_slice %arg4[%dma_start3A_102, %dma_start3A_103] : memref<1000000x128xf32, #tpu.memory_space<hbm>> -> memref<1000000x128xf32, #tpu.memory_space<hbm>>
    tpu.enqueue_indirect_dma source(%dma_start3A_104 : memref<1000000x128xf32, #tpu.memory_space<hbm>>) target(%arg10 : memref<128x128xf32, #tpu.memory_space<vmem>>) offsets(%dma_start3A_101 : memref<128xi32, #tpu.memory_space<vmem>>) semaphore(%arg15 : memref<!tpu.dma_semaphore, #tpu.memory_space<semaphore_mem>>)
    %dma_start3A_105 = arith.constant 3 : i32
    %dma_start3A_106 = arith.constant 0 : i32
    %dma_start3A_107 = tpu.memref_slice %arg8[%dma_start3A_105, %dma_start3A_106] : memref<4x128xi32, #tpu.memory_space<vmem>> -> memref<1x128xi32, #tpu.memory_space<vmem>>
    %dma_start3A_108 = tpu.memref_squeeze %dma_start3A_107 : memref<1x128xi32, #tpu.memory_space<vmem>> -> memref<128xi32, #tpu.memory_space<vmem>>
    %dma_start3A_109 = arith.constant 0 : i32
    %dma_start3A_110 = arith.constant 0 : i32
    %dma_start3A_111 = tpu.memref_slice %arg5[%dma_start3A_109, %dma_start3A_110] : memref<1000000x128xf32, #tpu.memory_space<hbm>> -> memref<1000000x128xf32, #tpu.memory_space<hbm>>
    tpu.enqueue_indirect_dma source(%dma_start3A_111 : memref<1000000x128xf32, #tpu.memory_space<hbm>>) target(%arg12 : memref<128x128xf32, #tpu.memory_space<vmem>>) offsets(%dma_start3A_108 : memref<128xi32, #tpu.memory_space<vmem>>) semaphore(%arg15 : memref<!tpu.dma_semaphore, #tpu.memory_space<semaphore_mem>>)
    %scan3A_112 = arith.constant 0 : i32
    %scan3A_113 = arith.constant 0 : i32
    %scan3A_114 = arith.constant 8 : i32
    %scan3A_115 = arith.addi %scan3A_113, %scan3A_114 : i32
    %scan3A_116 = arith.constant 1 : i32
    %scan3A_117 = scf.for %scan3A_140 = %scan3A_113 to %scan3A_115 step %scan3A_116 iter_args(%scan3A_141 = %scan3A_112) -> (i32)  : i32 {
      %mul3A_142 = arith.constant 16 : i32
      %mul3A_143 = arith.muli %scan3A_140, %mul3A_142 : i32
      %add3A_144 = vector.broadcast %mul3A_143 : i32 to vector<16xi32>
      %add3A_145 = arith.addi %iota3A, %add3A_144 : vector<16xi32>
      %broadcast_in_dim3A = arith.constant 0.000000e+00 : f32
      %broadcast_in_dim3A_146 = vector.broadcast %broadcast_in_dim3A : f32 to vector<16xf32>
      %scan3A_147 = arith.constant 0 : i32
      %scan3A_148 = arith.constant 128 : i32
      %scan3A_149 = arith.addi %scan3A_147, %scan3A_148 : i32
      %scan3A_150 = arith.constant 8 : i32
      %scan3A_151:4 = scf.for %scan3A_193 = %scan3A_147 to %scan3A_149 step %scan3A_150 iter_args(%scan3A_194 = %iota3A, %scan3A_195 = %broadcast_in_dim3A_146, %scan3A_196 = %broadcast_in_dim3A_146, %scan3A_197 = %broadcast_in_dim3A_146) -> (vector<16xi32>, vector<16xf32>, vector<16xf32>, vector<16xf32>)  : i32 {
        %gather3A = tpu.vector_load_idx %arg9[%add3A_145, %scan3A_194] : memref<128x128xf32, #tpu.memory_space<vmem>>[vector<16xi32>, vector<16xi32>], vector<16xf32>,
        %gather3A_198 = tpu.vector_load_idx %arg11[%add3A_145, %scan3A_194] : memref<128x128xf32, #tpu.memory_space<vmem>>[vector<16xi32>, vector<16xi32>], vector<16xf32>,
        %add3A_199 = arith.constant 1 : i32
        %add3A_200 = vector.broadcast %add3A_199 : i32 to vector<16xi32>
        %add3A_201 = arith.addi %scan3A_194, %add3A_200 : vector<16xi32>
        %and3A = arith.constant 127 : i32
        %and3A_202 = vector.broadcast %and3A : i32 to vector<16xi32>
        %and3A_203 = arith.andi %add3A_201, %and3A_202 : vector<16xi32>
        %mul3A_204 = arith.mulf %gather3A, %gather3A_198 : vector<16xf32>
        %add3A_205 = arith.addf %scan3A_195, %mul3A_204 : vector<16xf32>
        %mul3A_206 = arith.mulf %gather3A, %gather3A : vector<16xf32>
        %add3A_207 = arith.addf %scan3A_196, %mul3A_206 : vector<16xf32>
        %mul3A_208 = arith.mulf %gather3A_198, %gather3A_198 : vector<16xf32>
        %add3A_209 = arith.addf %scan3A_197, %mul3A_208 : vector<16xf32>
        %scan3A_210 = arith.constant 1 : i32
        %scan3A_211 = arith.addi %scan3A_193, %scan3A_210 : i32
        %gather3A_212 = tpu.vector_load_idx %arg9[%add3A_145, %and3A_203] : memref<128x128xf32, #tpu.memory_space<vmem>>[vector<16xi32>, vector<16xi32>], vector<16xf32>,
        %gather3A_213 = tpu.vector_load_idx %arg11[%add3A_145, %and3A_203] : memref<128x128xf32, #tpu.memory_space<vmem>>[vector<16xi32>, vector<16xi32>], vector<16xf32>,
        %add3A_214 = arith.constant 1 : i32
        %add3A_215 = vector.broadcast %add3A_214 : i32 to vector<16xi32>
        %add3A_216 = arith.addi %and3A_203, %add3A_215 : vector<16xi32>
        %and3A_217 = arith.constant 127 : i32
        %and3A_218 = vector.broadcast %and3A_217 : i32 to vector<16xi32>
        %and3A_219 = arith.andi %add3A_216, %and3A_218 : vector<16xi32>
        %mul3A_220 = arith.mulf %gather3A_212, %gather3A_213 : vector<16xf32>
        %add3A_221 = arith.addf %add3A_205, %mul3A_220 : vector<16xf32>
        %mul3A_222 = arith.mulf %gather3A_212, %gather3A_212 : vector<16xf32>
        %add3A_223 = arith.addf %add3A_207, %mul3A_222 : vector<16xf32>
        %mul3A_224 = arith.mulf %gather3A_213, %gather3A_213 : vector<16xf32>
        %add3A_225 = arith.addf %add3A_209, %mul3A_224 : vector<16xf32>
        %scan3A_226 = arith.constant 2 : i32
        %scan3A_227 = arith.addi %scan3A_193, %scan3A_226 : i32
        %gather3A_228 = tpu.vector_load_idx %arg9[%add3A_145, %and3A_219] : memref<128x128xf32, #tpu.memory_space<vmem>>[vector<16xi32>, vector<16xi32>], vector<16xf32>,
        %gather3A_229 = tpu.vector_load_idx %arg11[%add3A_145, %and3A_219] : memref<128x128xf32, #tpu.memory_space<vmem>>[vector<16xi32>, vector<16xi32>], vector<16xf32>,
        %add3A_230 = arith.constant 1 : i32
        %add3A_231 = vector.broadcast %add3A_230 : i32 to vector<16xi32>
        %add3A_232 = arith.addi %and3A_219, %add3A_231 : vector<16xi32>
        %and3A_233 = arith.constant 127 : i32
        %and3A_234 = vector.broadcast %and3A_233 : i32 to vector<16xi32>
        %and3A_235 = arith.andi %add3A_232, %and3A_234 : vector<16xi32>
        %mul3A_236 = arith.mulf %gather3A_228, %gather3A_229 : vector<16xf32>
        %add3A_237 = arith.addf %add3A_221, %mul3A_236 : vector<16xf32>
        %mul3A_238 = arith.mulf %gather3A_228, %gather3A_228 : vector<16xf32>
        %add3A_239 = arith.addf %add3A_223, %mul3A_238 : vector<16xf32>
        %mul3A_240 = arith.mulf %gather3A_229, %gather3A_229 : vector<16xf32>
        %add3A_241 = arith.addf %add3A_225, %mul3A_240 : vector<16xf32>
        %scan3A_242 = arith.constant 3 : i32
        %scan3A_243 = arith.addi %scan3A_193, %scan3A_242 : i32
        %gather3A_244 = tpu.vector_load_idx %arg9[%add3A_145, %and3A_235] : memref<128x128xf32, #tpu.memory_space<vmem>>[vector<16xi32>, vector<16xi32>], vector<16xf32>,
        %gather3A_245 = tpu.vector_load_idx %arg11[%add3A_145, %and3A_235] : memref<128x128xf32, #tpu.memory_space<vmem>>[vector<16xi32>, vector<16xi32>], vector<16xf32>,
        %add3A_246 = arith.constant 1 : i32
        %add3A_247 = vector.broadcast %add3A_246 : i32 to vector<16xi32>
        %add3A_248 = arith.addi %and3A_235, %add3A_247 : vector<16xi32>
        %and3A_249 = arith.constant 127 : i32
        %and3A_250 = vector.broadcast %and3A_249 : i32 to vector<16xi32>
        %and3A_251 = arith.andi %add3A_248, %and3A_250 : vector<16xi32>
        %mul3A_252 = arith.mulf %gather3A_244, %gather3A_245 : vector<16xf32>
        %add3A_253 = arith.addf %add3A_237, %mul3A_252 : vector<16xf32>
        %mul3A_254 = arith.mulf %gather3A_244, %gather3A_244 : vector<16xf32>
        %add3A_255 = arith.addf %add3A_239, %mul3A_254 : vector<16xf32>
        %mul3A_256 = arith.mulf %gather3A_245, %gather3A_245 : vector<16xf32>
        %add3A_257 = arith.addf %add3A_241, %mul3A_256 : vector<16xf32>
        %scan3A_258 = arith.constant 4 : i32
        %scan3A_259 = arith.addi %scan3A_193, %scan3A_258 : i32
        %gather3A_260 = tpu.vector_load_idx %arg9[%add3A_145, %and3A_251] : memref<128x128xf32, #tpu.memory_space<vmem>>[vector<16xi32>, vector<16xi32>], vector<16xf32>,
        %gather3A_261 = tpu.vector_load_idx %arg11[%add3A_145, %and3A_251] : memref<128x128xf32, #tpu.memory_space<vmem>>[vector<16xi32>, vector<16xi32>], vector<16xf32>,
        %add3A_262 = arith.constant 1 : i32
        %add3A_263 = vector.broadcast %add3A_262 : i32 to vector<16xi32>
        %add3A_264 = arith.addi %and3A_251, %add3A_263 : vector<16xi32>
        %and3A_265 = arith.constant 127 : i32
        %and3A_266 = vector.broadcast %and3A_265 : i32 to vector<16xi32>
        %and3A_267 = arith.andi %add3A_264, %and3A_266 : vector<16xi32>
        %mul3A_268 = arith.mulf %gather3A_260, %gather3A_261 : vector<16xf32>
        %add3A_269 = arith.addf %add3A_253, %mul3A_268 : vector<16xf32>
        %mul3A_270 = arith.mulf %gather3A_260, %gather3A_260 : vector<16xf32>
        %add3A_271 = arith.addf %add3A_255, %mul3A_270 : vector<16xf32>
        %mul3A_272 = arith.mulf %gather3A_261, %gather3A_261 : vector<16xf32>
        %add3A_273 = arith.addf %add3A_257, %mul3A_272 : vector<16xf32>
        %scan3A_274 = arith.constant 5 : i32
        %scan3A_275 = arith.addi %scan3A_193, %scan3A_274 : i32
        %gather3A_276 = tpu.vector_load_idx %arg9[%add3A_145, %and3A_267] : memref<128x128xf32, #tpu.memory_space<vmem>>[vector<16xi32>, vector<16xi32>], vector<16xf32>,
        %gather3A_277 = tpu.vector_load_idx %arg11[%add3A_145, %and3A_267] : memref<128x128xf32, #tpu.memory_space<vmem>>[vector<16xi32>, vector<16xi32>], vector<16xf32>,
        %add3A_278 = arith.constant 1 : i32
        %add3A_279 = vector.broadcast %add3A_278 : i32 to vector<16xi32>
        %add3A_280 = arith.addi %and3A_267, %add3A_279 : vector<16xi32>
        %and3A_281 = arith.constant 127 : i32
        %and3A_282 = vector.broadcast %and3A_281 : i32 to vector<16xi32>
        %and3A_283 = arith.andi %add3A_280, %and3A_282 : vector<16xi32>
        %mul3A_284 = arith.mulf %gather3A_276, %gather3A_277 : vector<16xf32>
        %add3A_285 = arith.addf %add3A_269, %mul3A_284 : vector<16xf32>
        %mul3A_286 = arith.mulf %gather3A_276, %gather3A_276 : vector<16xf32>
        %add3A_287 = arith.addf %add3A_271, %mul3A_286 : vector<16xf32>
        %mul3A_288 = arith.mulf %gather3A_277, %gather3A_277 : vector<16xf32>
        %add3A_289 = arith.addf %add3A_273, %mul3A_288 : vector<16xf32>
        %scan3A_290 = arith.constant 6 : i32
        %scan3A_291 = arith.addi %scan3A_193, %scan3A_290 : i32
        %gather3A_292 = tpu.vector_load_idx %arg9[%add3A_145, %and3A_283] : memref<128x128xf32, #tpu.memory_space<vmem>>[vector<16xi32>, vector<16xi32>], vector<16xf32>,
        %gather3A_293 = tpu.vector_load_idx %arg11[%add3A_145, %and3A_283] : memref<128x128xf32, #tpu.memory_space<vmem>>[vector<16xi32>, vector<16xi32>], vector<16xf32>,
        %add3A_294 = arith.constant 1 : i32
        %add3A_295 = vector.broadcast %add3A_294 : i32 to vector<16xi32>
        %add3A_296 = arith.addi %and3A_283, %add3A_295 : vector<16xi32>
        %and3A_297 = arith.constant 127 : i32
        %and3A_298 = vector.broadcast %and3A_297 : i32 to vector<16xi32>
        %and3A_299 = arith.andi %add3A_296, %and3A_298 : vector<16xi32>
        %mul3A_300 = arith.mulf %gather3A_292, %gather3A_293 : vector<16xf32>
        %add3A_301 = arith.addf %add3A_285, %mul3A_300 : vector<16xf32>
        %mul3A_302 = arith.mulf %gather3A_292, %gather3A_292 : vector<16xf32>
        %add3A_303 = arith.addf %add3A_287, %mul3A_302 : vector<16xf32>
        %mul3A_304 = arith.mulf %gather3A_293, %gather3A_293 : vector<16xf32>
        %add3A_305 = arith.addf %add3A_289, %mul3A_304 : vector<16xf32>
        %scan3A_306 = arith.constant 7 : i32
        %scan3A_307 = arith.addi %scan3A_193, %scan3A_306 : i32
        %gather3A_308 = tpu.vector_load_idx %arg9[%add3A_145, %and3A_299] : memref<128x128xf32, #tpu.memory_space<vmem>>[vector<16xi32>, vector<16xi32>], vector<16xf32>,
        %gather3A_309 = tpu.vector_load_idx %arg11[%add3A_145, %and3A_299] : memref<128x128xf32, #tpu.memory_space<vmem>>[vector<16xi32>, vector<16xi32>], vector<16xf32>,
        %add3A_310 = arith.constant 1 : i32
        %add3A_311 = vector.broadcast %add3A_310 : i32 to vector<16xi32>
        %add3A_312 = arith.addi %and3A_299, %add3A_311 : vector<16xi32>
        %and3A_313 = arith.constant 127 : i32
        %and3A_314 = vector.broadcast %and3A_313 : i32 to vector<16xi32>
        %and3A_315 = arith.andi %add3A_312, %and3A_314 : vector<16xi32>
        %mul3A_316 = arith.mulf %gather3A_308, %gather3A_309 : vector<16xf32>
        %add3A_317 = arith.addf %add3A_301, %mul3A_316 : vector<16xf32>
        %mul3A_318 = arith.mulf %gather3A_308, %gather3A_308 : vector<16xf32>
        %add3A_319 = arith.addf %add3A_303, %mul3A_318 : vector<16xf32>
        %mul3A_320 = arith.mulf %gather3A_309, %gather3A_309 : vector<16xf32>
        %add3A_321 = arith.addf %add3A_305, %mul3A_320 : vector<16xf32>
        scf.yield %and3A_315, %add3A_317, %add3A_319, %add3A_321 : vector<16xi32>, vector<16xf32>, vector<16xf32>, vector<16xf32>
      }
      %scan3A_152 = arith.constant 128 : i32
      %mul3A_153 = arith.mulf %scan3A_151#2, %scan3A_151#3 : vector<16xf32>
      %bitcast3A = vector.bitcast %mul3A_153 : vector<16xf32> to vector<16xi32>
      %shift_right_arithmetic3A = arith.constant 1 : i32
      %shift_right_arithmetic3A_154 = vector.broadcast %shift_right_arithmetic3A : i32 to vector<16xi32>
      %shift_right_arithmetic3A_155 = arith.shrsi %bitcast3A, %shift_right_arithmetic3A_154 : vector<16xi32>
      %sub3A = arith.constant 1597463007 : i32
      %sub3A_156 = vector.broadcast %sub3A : i32 to vector<16xi32>
      %sub3A_157 = arith.subi %sub3A_156, %shift_right_arithmetic3A_155 : vector<16xi32>
      %bitcast3A_158 = vector.bitcast %sub3A_157 : vector<16xi32> to vector<16xf32>
      %mul3A_159 = arith.constant 5.000000e-01 : f32
      %mul3A_160 = vector.broadcast %mul3A_159 : f32 to vector<16xf32>
      %mul3A_161 = arith.mulf %mul3A_160, %mul3A_153 : vector<16xf32>
      %mul3A_162 = arith.mulf %mul3A_161, %bitcast3A_158 : vector<16xf32>
      %mul3A_163 = arith.mulf %mul3A_162, %bitcast3A_158 : vector<16xf32>
      %sub3A_164 = arith.constant 1.500000e+00 : f32
      %sub3A_165 = vector.broadcast %sub3A_164 : f32 to vector<16xf32>
      %sub3A_166 = arith.subf %sub3A_165, %mul3A_163 : vector<16xf32>
      %mul3A_167 = arith.mulf %bitcast3A_158, %sub3A_166 : vector<16xf32>
      %mul3A_168 = arith.constant 5.000000e-01 : f32
      %mul3A_169 = vector.broadcast %mul3A_168 : f32 to vector<16xf32>
      %mul3A_170 = arith.mulf %mul3A_169, %mul3A_153 : vector<16xf32>
      %mul3A_171 = arith.mulf %mul3A_170, %mul3A_167 : vector<16xf32>
      %mul3A_172 = arith.mulf %mul3A_171, %mul3A_167 : vector<16xf32>
      %sub3A_173 = arith.constant 1.500000e+00 : f32
      %sub3A_174 = vector.broadcast %sub3A_173 : f32 to vector<16xf32>
      %sub3A_175 = arith.subf %sub3A_174, %mul3A_172 : vector<16xf32>
      %mul3A_176 = arith.mulf %mul3A_167, %sub3A_175 : vector<16xf32>
      %mul3A_177 = arith.constant 5.000000e-01 : f32
      %mul3A_178 = vector.broadcast %mul3A_177 : f32 to vector<16xf32>
      %mul3A_179 = arith.mulf %mul3A_178, %mul3A_153 : vector<16xf32>
      %mul3A_180 = arith.mulf %mul3A_179, %mul3A_176 : vector<16xf32>
      %mul3A_181 = arith.mulf %mul3A_180, %mul3A_176 : vector<16xf32>
      %sub3A_182 = arith.constant 1.500000e+00 : f32
      %sub3A_183 = vector.broadcast %sub3A_182 : f32 to vector<16xf32>
      %sub3A_184 = arith.subf %sub3A_183, %mul3A_181 : vector<16xf32>
      %mul3A_185 = arith.mulf %mul3A_176, %sub3A_184 : vector<16xf32>
      %mul3A_186 = arith.mulf %scan3A_151#1, %mul3A_185 : vector<16xf32>
      %mul3A_187 = arith.constant 16 : i32
      %mul3A_188 = arith.muli %scan3A_140, %mul3A_187 : i32
      %swap3A = arith.constant 2 : i32
      %swap3A_189 = arith.index_cast %swap3A : i32 to index
      %swap3A_190 = arith.index_cast %mul3A_188 : i32 to index
      %swap3A_191 = tpu.vector_load %arg13[%swap3A_189, %swap3A_190] {strides = array<i32>} : memref<4x128xf32, #tpu.memory_space<vmem>>, vector<16xf32>,
      tpu.vector_store %arg13[%swap3A_189, %swap3A_190], %mul3A_186 {strides = array<i32>} : memref<4x128xf32, #tpu.memory_space<vmem>>, vector<16xf32>,
      %scan3A_192 = arith.constant 0 : i32
      scf.yield %scan3A_192 : i32
    }
    %scan3A_118 = arith.constant 8 : i32
    %dma_wait3A_119 = arith.constant 3 : i32
    %dma_wait3A_120 = arith.constant 0 : i32
    %dma_wait3A_121 = tpu.memref_slice %arg7[%dma_wait3A_119, %dma_wait3A_120] : memref<4x128xi32, #tpu.memory_space<vmem>> -> memref<1x128xi32, #tpu.memory_space<vmem>>
    %dma_wait3A_122 = tpu.memref_squeeze %dma_wait3A_121 : memref<1x128xi32, #tpu.memory_space<vmem>> -> memref<128xi32, #tpu.memory_space<vmem>>
    %dma_wait3A_123 = arith.constant 0 : i32
    %dma_wait3A_124 = arith.constant 0 : i32
    %dma_wait3A_125 = tpu.memref_slice %arg4[%dma_wait3A_123, %dma_wait3A_124] : memref<1000000x128xf32, #tpu.memory_space<hbm>> -> memref<1000000x128xf32, #tpu.memory_space<hbm>>
    tpu.wait_indirect_dma semaphore(%arg15 : memref<!tpu.dma_semaphore, #tpu.memory_space<semaphore_mem>>) src(%dma_wait3A_125 : memref<1000000x128xf32, #tpu.memory_space<hbm>>) dst(%arg10 : memref<128x128xf32, #tpu.memory_space<vmem>>)
    %dma_wait3A_126 = arith.constant 3 : i32
    %dma_wait3A_127 = arith.constant 0 : i32
    %dma_wait3A_128 = tpu.memref_slice %arg8[%dma_wait3A_126, %dma_wait3A_127] : memref<4x128xi32, #tpu.memory_space<vmem>> -> memref<1x128xi32, #tpu.memory_space<vmem>>
    %dma_wait3A_129 = tpu.memref_squeeze %dma_wait3A_128 : memref<1x128xi32, #tpu.memory_space<vmem>> -> memref<128xi32, #tpu.memory_space<vmem>>
    %dma_wait3A_130 = arith.constant 0 : i32
    %dma_wait3A_131 = arith.constant 0 : i32
    %dma_wait3A_132 = tpu.memref_slice %arg5[%dma_wait3A_130, %dma_wait3A_131] : memref<1000000x128xf32, #tpu.memory_space<hbm>> -> memref<1000000x128xf32, #tpu.memory_space<hbm>>
    tpu.wait_indirect_dma semaphore(%arg15 : memref<!tpu.dma_semaphore, #tpu.memory_space<semaphore_mem>>) src(%dma_wait3A_132 : memref<1000000x128xf32, #tpu.memory_space<hbm>>) dst(%arg12 : memref<128x128xf32, #tpu.memory_space<vmem>>)
    %scan3A_133 = arith.constant 0 : i32
    %scan3A_134 = arith.constant 0 : i32
    %scan3A_135 = arith.constant 8 : i32
    %scan3A_136 = arith.addi %scan3A_134, %scan3A_135 : i32
    %scan3A_137 = arith.constant 1 : i32
    %scan3A_138 = scf.for %scan3A_140 = %scan3A_134 to %scan3A_136 step %scan3A_137 iter_args(%scan3A_141 = %scan3A_133) -> (i32)  : i32 {
      %mul3A_142 = arith.constant 16 : i32
      %mul3A_143 = arith.muli %scan3A_140, %mul3A_142 : i32
      %add3A_144 = vector.broadcast %mul3A_143 : i32 to vector<16xi32>
      %add3A_145 = arith.addi %iota3A, %add3A_144 : vector<16xi32>
      %broadcast_in_dim3A = arith.constant 0.000000e+00 : f32
      %broadcast_in_dim3A_146 = vector.broadcast %broadcast_in_dim3A : f32 to vector<16xf32>
      %scan3A_147 = arith.constant 0 : i32
      %scan3A_148 = arith.constant 128 : i32
      %scan3A_149 = arith.addi %scan3A_147, %scan3A_148 : i32
      %scan3A_150 = arith.constant 8 : i32
      %scan3A_151:4 = scf.for %scan3A_193 = %scan3A_147 to %scan3A_149 step %scan3A_150 iter_args(%scan3A_194 = %iota3A, %scan3A_195 = %broadcast_in_dim3A_146, %scan3A_196 = %broadcast_in_dim3A_146, %scan3A_197 = %broadcast_in_dim3A_146) -> (vector<16xi32>, vector<16xf32>, vector<16xf32>, vector<16xf32>)  : i32 {
        %gather3A = tpu.vector_load_idx %arg10[%add3A_145, %scan3A_194] : memref<128x128xf32, #tpu.memory_space<vmem>>[vector<16xi32>, vector<16xi32>], vector<16xf32>,
        %gather3A_198 = tpu.vector_load_idx %arg12[%add3A_145, %scan3A_194] : memref<128x128xf32, #tpu.memory_space<vmem>>[vector<16xi32>, vector<16xi32>], vector<16xf32>,
        %add3A_199 = arith.constant 1 : i32
        %add3A_200 = vector.broadcast %add3A_199 : i32 to vector<16xi32>
        %add3A_201 = arith.addi %scan3A_194, %add3A_200 : vector<16xi32>
        %and3A = arith.constant 127 : i32
        %and3A_202 = vector.broadcast %and3A : i32 to vector<16xi32>
        %and3A_203 = arith.andi %add3A_201, %and3A_202 : vector<16xi32>
        %mul3A_204 = arith.mulf %gather3A, %gather3A_198 : vector<16xf32>
        %add3A_205 = arith.addf %scan3A_195, %mul3A_204 : vector<16xf32>
        %mul3A_206 = arith.mulf %gather3A, %gather3A : vector<16xf32>
        %add3A_207 = arith.addf %scan3A_196, %mul3A_206 : vector<16xf32>
        %mul3A_208 = arith.mulf %gather3A_198, %gather3A_198 : vector<16xf32>
        %add3A_209 = arith.addf %scan3A_197, %mul3A_208 : vector<16xf32>
        %scan3A_210 = arith.constant 1 : i32
        %scan3A_211 = arith.addi %scan3A_193, %scan3A_210 : i32
        %gather3A_212 = tpu.vector_load_idx %arg10[%add3A_145, %and3A_203] : memref<128x128xf32, #tpu.memory_space<vmem>>[vector<16xi32>, vector<16xi32>], vector<16xf32>,
        %gather3A_213 = tpu.vector_load_idx %arg12[%add3A_145, %and3A_203] : memref<128x128xf32, #tpu.memory_space<vmem>>[vector<16xi32>, vector<16xi32>], vector<16xf32>,
        %add3A_214 = arith.constant 1 : i32
        %add3A_215 = vector.broadcast %add3A_214 : i32 to vector<16xi32>
        %add3A_216 = arith.addi %and3A_203, %add3A_215 : vector<16xi32>
        %and3A_217 = arith.constant 127 : i32
        %and3A_218 = vector.broadcast %and3A_217 : i32 to vector<16xi32>
        %and3A_219 = arith.andi %add3A_216, %and3A_218 : vector<16xi32>
        %mul3A_220 = arith.mulf %gather3A_212, %gather3A_213 : vector<16xf32>
        %add3A_221 = arith.addf %add3A_205, %mul3A_220 : vector<16xf32>
        %mul3A_222 = arith.mulf %gather3A_212, %gather3A_212 : vector<16xf32>
        %add3A_223 = arith.addf %add3A_207, %mul3A_222 : vector<16xf32>
        %mul3A_224 = arith.mulf %gather3A_213, %gather3A_213 : vector<16xf32>
        %add3A_225 = arith.addf %add3A_209, %mul3A_224 : vector<16xf32>
        %scan3A_226 = arith.constant 2 : i32
        %scan3A_227 = arith.addi %scan3A_193, %scan3A_226 : i32
        %gather3A_228 = tpu.vector_load_idx %arg10[%add3A_145, %and3A_219] : memref<128x128xf32, #tpu.memory_space<vmem>>[vector<16xi32>, vector<16xi32>], vector<16xf32>,
        %gather3A_229 = tpu.vector_load_idx %arg12[%add3A_145, %and3A_219] : memref<128x128xf32, #tpu.memory_space<vmem>>[vector<16xi32>, vector<16xi32>], vector<16xf32>,
        %add3A_230 = arith.constant 1 : i32
        %add3A_231 = vector.broadcast %add3A_230 : i32 to vector<16xi32>
        %add3A_232 = arith.addi %and3A_219, %add3A_231 : vector<16xi32>
        %and3A_233 = arith.constant 127 : i32
        %and3A_234 = vector.broadcast %and3A_233 : i32 to vector<16xi32>
        %and3A_235 = arith.andi %add3A_232, %and3A_234 : vector<16xi32>
        %mul3A_236 = arith.mulf %gather3A_228, %gather3A_229 : vector<16xf32>
        %add3A_237 = arith.addf %add3A_221, %mul3A_236 : vector<16xf32>
        %mul3A_238 = arith.mulf %gather3A_228, %gather3A_228 : vector<16xf32>
        %add3A_239 = arith.addf %add3A_223, %mul3A_238 : vector<16xf32>
        %mul3A_240 = arith.mulf %gather3A_229, %gather3A_229 : vector<16xf32>
        %add3A_241 = arith.addf %add3A_225, %mul3A_240 : vector<16xf32>
        %scan3A_242 = arith.constant 3 : i32
        %scan3A_243 = arith.addi %scan3A_193, %scan3A_242 : i32
        %gather3A_244 = tpu.vector_load_idx %arg10[%add3A_145, %and3A_235] : memref<128x128xf32, #tpu.memory_space<vmem>>[vector<16xi32>, vector<16xi32>], vector<16xf32>,
        %gather3A_245 = tpu.vector_load_idx %arg12[%add3A_145, %and3A_235] : memref<128x128xf32, #tpu.memory_space<vmem>>[vector<16xi32>, vector<16xi32>], vector<16xf32>,
        %add3A_246 = arith.constant 1 : i32
        %add3A_247 = vector.broadcast %add3A_246 : i32 to vector<16xi32>
        %add3A_248 = arith.addi %and3A_235, %add3A_247 : vector<16xi32>
        %and3A_249 = arith.constant 127 : i32
        %and3A_250 = vector.broadcast %and3A_249 : i32 to vector<16xi32>
        %and3A_251 = arith.andi %add3A_248, %and3A_250 : vector<16xi32>
        %mul3A_252 = arith.mulf %gather3A_244, %gather3A_245 : vector<16xf32>
        %add3A_253 = arith.addf %add3A_237, %mul3A_252 : vector<16xf32>
        %mul3A_254 = arith.mulf %gather3A_244, %gather3A_244 : vector<16xf32>
        %add3A_255 = arith.addf %add3A_239, %mul3A_254 : vector<16xf32>
        %mul3A_256 = arith.mulf %gather3A_245, %gather3A_245 : vector<16xf32>
        %add3A_257 = arith.addf %add3A_241, %mul3A_256 : vector<16xf32>
        %scan3A_258 = arith.constant 4 : i32
        %scan3A_259 = arith.addi %scan3A_193, %scan3A_258 : i32
        %gather3A_260 = tpu.vector_load_idx %arg10[%add3A_145, %and3A_251] : memref<128x128xf32, #tpu.memory_space<vmem>>[vector<16xi32>, vector<16xi32>], vector<16xf32>,
        %gather3A_261 = tpu.vector_load_idx %arg12[%add3A_145, %and3A_251] : memref<128x128xf32, #tpu.memory_space<vmem>>[vector<16xi32>, vector<16xi32>], vector<16xf32>,
        %add3A_262 = arith.constant 1 : i32
        %add3A_263 = vector.broadcast %add3A_262 : i32 to vector<16xi32>
        %add3A_264 = arith.addi %and3A_251, %add3A_263 : vector<16xi32>
        %and3A_265 = arith.constant 127 : i32
        %and3A_266 = vector.broadcast %and3A_265 : i32 to vector<16xi32>
        %and3A_267 = arith.andi %add3A_264, %and3A_266 : vector<16xi32>
        %mul3A_268 = arith.mulf %gather3A_260, %gather3A_261 : vector<16xf32>
        %add3A_269 = arith.addf %add3A_253, %mul3A_268 : vector<16xf32>
        %mul3A_270 = arith.mulf %gather3A_260, %gather3A_260 : vector<16xf32>
        %add3A_271 = arith.addf %add3A_255, %mul3A_270 : vector<16xf32>
        %mul3A_272 = arith.mulf %gather3A_261, %gather3A_261 : vector<16xf32>
        %add3A_273 = arith.addf %add3A_257, %mul3A_272 : vector<16xf32>
        %scan3A_274 = arith.constant 5 : i32
        %scan3A_275 = arith.addi %scan3A_193, %scan3A_274 : i32
        %gather3A_276 = tpu.vector_load_idx %arg10[%add3A_145, %and3A_267] : memref<128x128xf32, #tpu.memory_space<vmem>>[vector<16xi32>, vector<16xi32>], vector<16xf32>,
        %gather3A_277 = tpu.vector_load_idx %arg12[%add3A_145, %and3A_267] : memref<128x128xf32, #tpu.memory_space<vmem>>[vector<16xi32>, vector<16xi32>], vector<16xf32>,
        %add3A_278 = arith.constant 1 : i32
        %add3A_279 = vector.broadcast %add3A_278 : i32 to vector<16xi32>
        %add3A_280 = arith.addi %and3A_267, %add3A_279 : vector<16xi32>
        %and3A_281 = arith.constant 127 : i32
        %and3A_282 = vector.broadcast %and3A_281 : i32 to vector<16xi32>
        %and3A_283 = arith.andi %add3A_280, %and3A_282 : vector<16xi32>
        %mul3A_284 = arith.mulf %gather3A_276, %gather3A_277 : vector<16xf32>
        %add3A_285 = arith.addf %add3A_269, %mul3A_284 : vector<16xf32>
        %mul3A_286 = arith.mulf %gather3A_276, %gather3A_276 : vector<16xf32>
        %add3A_287 = arith.addf %add3A_271, %mul3A_286 : vector<16xf32>
        %mul3A_288 = arith.mulf %gather3A_277, %gather3A_277 : vector<16xf32>
        %add3A_289 = arith.addf %add3A_273, %mul3A_288 : vector<16xf32>
        %scan3A_290 = arith.constant 6 : i32
        %scan3A_291 = arith.addi %scan3A_193, %scan3A_290 : i32
        %gather3A_292 = tpu.vector_load_idx %arg10[%add3A_145, %and3A_283] : memref<128x128xf32, #tpu.memory_space<vmem>>[vector<16xi32>, vector<16xi32>], vector<16xf32>,
        %gather3A_293 = tpu.vector_load_idx %arg12[%add3A_145, %and3A_283] : memref<128x128xf32, #tpu.memory_space<vmem>>[vector<16xi32>, vector<16xi32>], vector<16xf32>,
        %add3A_294 = arith.constant 1 : i32
        %add3A_295 = vector.broadcast %add3A_294 : i32 to vector<16xi32>
        %add3A_296 = arith.addi %and3A_283, %add3A_295 : vector<16xi32>
        %and3A_297 = arith.constant 127 : i32
        %and3A_298 = vector.broadcast %and3A_297 : i32 to vector<16xi32>
        %and3A_299 = arith.andi %add3A_296, %and3A_298 : vector<16xi32>
        %mul3A_300 = arith.mulf %gather3A_292, %gather3A_293 : vector<16xf32>
        %add3A_301 = arith.addf %add3A_285, %mul3A_300 : vector<16xf32>
        %mul3A_302 = arith.mulf %gather3A_292, %gather3A_292 : vector<16xf32>
        %add3A_303 = arith.addf %add3A_287, %mul3A_302 : vector<16xf32>
        %mul3A_304 = arith.mulf %gather3A_293, %gather3A_293 : vector<16xf32>
        %add3A_305 = arith.addf %add3A_289, %mul3A_304 : vector<16xf32>
        %scan3A_306 = arith.constant 7 : i32
        %scan3A_307 = arith.addi %scan3A_193, %scan3A_306 : i32
        %gather3A_308 = tpu.vector_load_idx %arg10[%add3A_145, %and3A_299] : memref<128x128xf32, #tpu.memory_space<vmem>>[vector<16xi32>, vector<16xi32>], vector<16xf32>,
        %gather3A_309 = tpu.vector_load_idx %arg12[%add3A_145, %and3A_299] : memref<128x128xf32, #tpu.memory_space<vmem>>[vector<16xi32>, vector<16xi32>], vector<16xf32>,
        %add3A_310 = arith.constant 1 : i32
        %add3A_311 = vector.broadcast %add3A_310 : i32 to vector<16xi32>
        %add3A_312 = arith.addi %and3A_299, %add3A_311 : vector<16xi32>
        %and3A_313 = arith.constant 127 : i32
        %and3A_314 = vector.broadcast %and3A_313 : i32 to vector<16xi32>
        %and3A_315 = arith.andi %add3A_312, %and3A_314 : vector<16xi32>
        %mul3A_316 = arith.mulf %gather3A_308, %gather3A_309 : vector<16xf32>
        %add3A_317 = arith.addf %add3A_301, %mul3A_316 : vector<16xf32>
        %mul3A_318 = arith.mulf %gather3A_308, %gather3A_308 : vector<16xf32>
        %add3A_319 = arith.addf %add3A_303, %mul3A_318 : vector<16xf32>
        %mul3A_320 = arith.mulf %gather3A_309, %gather3A_309 : vector<16xf32>
        %add3A_321 = arith.addf %add3A_305, %mul3A_320 : vector<16xf32>
        scf.yield %and3A_315, %add3A_317, %add3A_319, %add3A_321 : vector<16xi32>, vector<16xf32>, vector<16xf32>, vector<16xf32>
      }
      %scan3A_152 = arith.constant 128 : i32
      %mul3A_153 = arith.mulf %scan3A_151#2, %scan3A_151#3 : vector<16xf32>
      %bitcast3A = vector.bitcast %mul3A_153 : vector<16xf32> to vector<16xi32>
      %shift_right_arithmetic3A = arith.constant 1 : i32
      %shift_right_arithmetic3A_154 = vector.broadcast %shift_right_arithmetic3A : i32 to vector<16xi32>
      %shift_right_arithmetic3A_155 = arith.shrsi %bitcast3A, %shift_right_arithmetic3A_154 : vector<16xi32>
      %sub3A = arith.constant 1597463007 : i32
      %sub3A_156 = vector.broadcast %sub3A : i32 to vector<16xi32>
      %sub3A_157 = arith.subi %sub3A_156, %shift_right_arithmetic3A_155 : vector<16xi32>
      %bitcast3A_158 = vector.bitcast %sub3A_157 : vector<16xi32> to vector<16xf32>
      %mul3A_159 = arith.constant 5.000000e-01 : f32
      %mul3A_160 = vector.broadcast %mul3A_159 : f32 to vector<16xf32>
      %mul3A_161 = arith.mulf %mul3A_160, %mul3A_153 : vector<16xf32>
      %mul3A_162 = arith.mulf %mul3A_161, %bitcast3A_158 : vector<16xf32>
      %mul3A_163 = arith.mulf %mul3A_162, %bitcast3A_158 : vector<16xf32>
      %sub3A_164 = arith.constant 1.500000e+00 : f32
      %sub3A_165 = vector.broadcast %sub3A_164 : f32 to vector<16xf32>
      %sub3A_166 = arith.subf %sub3A_165, %mul3A_163 : vector<16xf32>
      %mul3A_167 = arith.mulf %bitcast3A_158, %sub3A_166 : vector<16xf32>
      %mul3A_168 = arith.constant 5.000000e-01 : f32
      %mul3A_169 = vector.broadcast %mul3A_168 : f32 to vector<16xf32>
      %mul3A_170 = arith.mulf %mul3A_169, %mul3A_153 : vector<16xf32>
      %mul3A_171 = arith.mulf %mul3A_170, %mul3A_167 : vector<16xf32>
      %mul3A_172 = arith.mulf %mul3A_171, %mul3A_167 : vector<16xf32>
      %sub3A_173 = arith.constant 1.500000e+00 : f32
      %sub3A_174 = vector.broadcast %sub3A_173 : f32 to vector<16xf32>
      %sub3A_175 = arith.subf %sub3A_174, %mul3A_172 : vector<16xf32>
      %mul3A_176 = arith.mulf %mul3A_167, %sub3A_175 : vector<16xf32>
      %mul3A_177 = arith.constant 5.000000e-01 : f32
      %mul3A_178 = vector.broadcast %mul3A_177 : f32 to vector<16xf32>
      %mul3A_179 = arith.mulf %mul3A_178, %mul3A_153 : vector<16xf32>
      %mul3A_180 = arith.mulf %mul3A_179, %mul3A_176 : vector<16xf32>
      %mul3A_181 = arith.mulf %mul3A_180, %mul3A_176 : vector<16xf32>
      %sub3A_182 = arith.constant 1.500000e+00 : f32
      %sub3A_183 = vector.broadcast %sub3A_182 : f32 to vector<16xf32>
      %sub3A_184 = arith.subf %sub3A_183, %mul3A_181 : vector<16xf32>
      %mul3A_185 = arith.mulf %mul3A_176, %sub3A_184 : vector<16xf32>
      %mul3A_186 = arith.mulf %scan3A_151#1, %mul3A_185 : vector<16xf32>
      %mul3A_187 = arith.constant 16 : i32
      %mul3A_188 = arith.muli %scan3A_140, %mul3A_187 : i32
      %swap3A = arith.constant 3 : i32
      %swap3A_189 = arith.index_cast %swap3A : i32 to index
      %swap3A_190 = arith.index_cast %mul3A_188 : i32 to index
      %swap3A_191 = tpu.vector_load %arg13[%swap3A_189, %swap3A_190] {strides = array<i32>} : memref<4x128xf32, #tpu.memory_space<vmem>>, vector<16xf32>,
      tpu.vector_store %arg13[%swap3A_189, %swap3A_190], %mul3A_186 {strides = array<i32>} : memref<4x128xf32, #tpu.memory_space<vmem>>, vector<16xf32>,
      %scan3A_192 = arith.constant 0 : i32
      scf.yield %scan3A_192 : i32
    }
    %scan3A_139 = arith.constant 8 : i32
    "tpu.region"() ({
      %run_scoped3A = tpu.sem_alloc : memref<!tpu.dma_semaphore, #tpu.memory_space<semaphore_mem>>
      %dma_start3A_140 = arith.constant 0 : i32
      %dma_start3A_141 = tpu.memref_slice %arg6[%mul3A_2, %dma_start3A_140] : memref<128x128xf32, #tpu.memory_space<hbm>> -> memref<4x128xf32, #tpu.memory_space<hbm>>
      %dma_start3A_142 = arith.constant 0 : i32
      %dma_start3A_143 = tpu.memref_slice %arg6[%mul3A_2, %dma_start3A_142] : memref<128x128xf32, #tpu.memory_space<hbm>> -> memref<4x128xf32, #tpu.memory_space<hbm>>
      tpu.enqueue_dma source(%arg13 : memref<4x128xf32, #tpu.memory_space<vmem>>) target(%dma_start3A_143 : memref<4x128xf32, #tpu.memory_space<hbm>>) target_semaphore(%run_scoped3A : memref<!tpu.dma_semaphore, #tpu.memory_space<semaphore_mem>>)
      %dma_wait3A_144 = arith.constant 0 : i32
      %dma_wait3A_145 = tpu.memref_slice %arg6[%mul3A_2, %dma_wait3A_144] : memref<128x128xf32, #tpu.memory_space<hbm>> -> memref<4x128xf32, #tpu.memory_space<hbm>>
      %dma_wait3A_146 = arith.constant 0 : i32
      %dma_wait3A_147 = tpu.memref_slice %arg6[%mul3A_2, %dma_wait3A_146] : memref<128x128xf32, #tpu.memory_space<hbm>> -> memref<4x128xf32, #tpu.memory_space<hbm>>
      tpu.wait_dma2 semaphore(%run_scoped3A : memref<!tpu.dma_semaphore, #tpu.memory_space<semaphore_mem>>) src(%arg13 : memref<4x128xf32, #tpu.memory_space<vmem>>) dst(%dma_wait3A_147 : memref<4x128xf32, #tpu.memory_space<hbm>>)
      tpu.yield
    }) : () -> ()
    return
  }
}

</mosaic_0001>

<sc_bundles>
// kernel: kernel.3.cloned.1.call-start
scs
__scs_entry_jumppad:
0x0: {  	(pc) =	sbr.rel $0x88, $3  }
0x1: {  	(tag) =	ssettag $0x0;
	lr =	simm.s32 $0x1  }
0x2: {  	[smem:$0x3F9D] =	sst lr;
	_ =	strace $0xD0000000  }
0x3: {  	_ = 	snop  }
0x4: {  	_ = 	snop  }
0x5: {  	_ = 	snop  }
0x6: {  	_ = 	snop  }
0x7: {  	_ = 	snop  }
__scs_overlays_trampoline_lowered:
0x8: {  	[smem:$0x3FAC] =	sst s0  }
0x9: {  	[smem:$0x3FAD] =	sst s1  }
0xa: {  	[smem:$0x3FAE] =	sst s2  }
0xb: {  	[smem:$0x3FAF] =	sst s3  }
0xc: {  	[smem:$0x3FB0] =	sst s4  }
0xd: {  	[smem:$0x3FB1] =	sst s5  }
0xe: {  	[smem:$0x3FB2] =	sst s6  }
0xf: {  	[smem:$0x3FB3] =	sst s7  }
0x10: {  	[smem:$0x3FB4] =	sst s8  }
0x11: {  	[smem:$0x3FB5] =	sst s9;
	s0 =	simm.s32 @!p0 $0x0  }
0x12: {  	s1 =	sld [smem:$0x3F9B];
	s0 =	simm.s32 @p0 $0x1  }
0x13: {  	[smem:$0x3FB6] =	sst s0;
	s0 =	simm.s32 @!p1 $0x0  }
0x14: {  	s2 =	sld [smem:$0x3F9A];
	s0 =	simm.s32 @p1 $0x1  }
0x15: {  	[smem:$0x3FB7] =	sst s0;
	s0 =	simm.s32 @!p2 $0x0  }
0x16: {  	s3 =	sld [smem:$0x3FDB];
	s0 =	simm.s32 @p2 $0x1  }
0x17: {  	s4 =	simm.s32 $0x1BF5;
	[smem:$0x3FB9] =	sst s0  }
0x18: {  	s0 =	sld [smem:$0x3F9C];
	_ =	swait.ge [sflag:s4], $0x0  }
0x19: {  	s7 =	sld [smem:$0x3F9D]  }
0x1a: {  	s8 =	sadd.s32 $0xFFFFE003, lr  }
0x1b: {  	s9 =	sadd.s32 $0xFFFFFEF7, lr;
	s5 =	simm.s32 $0xFFFFFFFF;
	p2 =	slt.u32 s8, $0xFFFFF086  }
0x1c: {  	p1 =	slt.u32 s9, $0xF7A;
	s5 =	simm.s32 @!p2 $0x0  }
0x1d: {  	s5 =	simm.s32 @p1 $0x1;
	p0 =	seq.s32 s7, s2  }
0x1e: {  	s7 =	smul.u32 @!p0 $0xF7A, s2;
	p2 =	seq.s32 @!p0 s5, $0x0  }
0x1f: {  	s9 =	smul.u32 $0xF7A, s1;
	s8 =	simm.s32 @!p0 $0x1BF5;
	p2 =	por !p2, p0  }
0x20: {  	[sflag:s8] =	ssyncset.s32 @!p0 $0xFFFFF086;
	s6 =	sadd.s32 @!p0 s3, s7;
	s7 =	simm.s32 @!p0 $0x108  }
0x21: {  	s3 =	sadd.s32 s3, s9;
	s6 =	sadd.s32 @!p0 $0x88, s6;
	s7 =	simm.s32 @p2 $0x1082  }
0x22: {  	[simem:s7], [sflag:s8] =	dma.local @!p0 [hbm:s6], $0xF7A  }
0x23: {  	s9 =	sor.u32 $0xD0000000, s2;
	s6 =	simm.s32 $0x108;
	_ =	swait.ge @!p0 [sflag:s8], $0x0  }
0x24: {  	s3 =	sadd.s32 $0x88, s3;
	s6 =	simm.s32 @!p1 $0x1082;
	[sflag:s4] =	ssyncset.s32 $0xFFFFF086  }
0x25: {  	[simem:s6], [sflag:s4] =	dma.local [hbm:s3], $0xF7A  }
0x26: {  	[smem:$0x3F9D] =	sst s1;
	(tag) =	ssettag s2;
	_ =	strace s9  }
0x27: {  	s1 =	sld [smem:$0x3FAD]  }
0x28: {  	s2 =	sld [smem:$0x3FAE]  }
0x29: {  	s4 =	sld [smem:$0x3FB0]  }
0x2a: {  	p0 =	seq.s32 s5, $0x0;
	s5 =	sld [smem:$0x3FB1]  }
0x2b: {  	s6 =	sld [smem:$0x3FB2]  }
0x2c: {  	s7 =	sld [smem:$0x3FB3]  }
0x2d: {  	s3 =	simm.s32 $0x108;
	s8 =	sld [smem:$0x3FB4]  }
0x2e: {  	s3 =	simm.s32 @!p0 $0x1082;
	s9 =	sld [smem:$0x3FB5]  }
0x2f: {  	lr =	sadd.s32 s0, s3;
	s0 =	sld [smem:$0x3FAC]  }
0x30: {  	s3 =	sld [smem:$0x3FAF]  }
0x31: {  	[smem:$0x3FB8] =	sst s10  }
0x32: {  	s10 =	sld [smem:$0x3FB6];
	_ =	sdelay $0x3  }
0x33: {  	p0 =	seq.s32 s10, $0x1;
	s10 =	sld [smem:$0x3FB8];
	_ =	sdelay $0x3  }
0x34: {  	[smem:$0x3FB8] =	sst s10  }
0x35: {  	s10 =	sld [smem:$0x3FB7];
	_ =	sdelay $0x3  }
0x36: {  	p1 =	seq.s32 s10, $0x1;
	s10 =	sld [smem:$0x3FB8];
	_ =	sdelay $0x3  }
0x37: {  	[smem:$0x3FB8] =	sst s10  }
0x38: {  	s10 =	sld [smem:$0x3FB9]  }
0x39: {  	_ = 	snop;
	(pc) =	sbr.ind lr, $3  }
0x3a: {  	_ = 	snop  }
0x3b: {  	_ = 	snop  }
0x3c: {  	p2 =	seq.s32 s10, $0x1;
	s10 =	sld [smem:$0x3FB8]  }
0x3d: {  	_ =	shalt  }
0x3e: {  	_ =	shalt  }
0x3f: {  	_ =	shalt  }
0x40: {  	_ =	shalt  }
0x41: {  	_ =	shalt  }
0x42: {  	_ =	shalt  }
0x43: {  	_ =	shalt  }
0x44: {  	_ =	shalt  }
0x45: {  	_ =	shalt  }
0x46: {  	_ =	shalt  }
0x47: {  	_ =	shalt  }
0x48: {  	_ =	shalt  }
0x49: {  	_ =	shalt  }
0x4a: {  	_ =	shalt  }
0x4b: {  	_ =	shalt  }
0x4c: {  	_ =	shalt  }
0x4d: {  	_ =	shalt  }
0x4e: {  	_ =	shalt  }
0x4f: {  	_ =	shalt  }
0x50: {  	_ =	shalt  }
0x51: {  	_ =	shalt  }
0x52: {  	_ =	shalt  }
0x53: {  	_ =	shalt  }
0x54: {  	_ =	shalt  }
0x55: {  	_ =	shalt  }
0x56: {  	_ =	shalt  }
0x57: {  	_ =	shalt  }
0x58: {  	_ =	shalt  }
0x59: {  	_ =	shalt  }
0x5a: {  	_ =	shalt  }
0x5b: {  	_ =	shalt  }
0x5c: {  	_ =	shalt  }
0x5d: {  	_ =	shalt  }
0x5e: {  	_ =	shalt  }
0x5f: {  	_ =	shalt  }
0x60: {  	_ =	shalt  }
0x61: {  	_ =	shalt  }
0x62: {  	_ =	shalt  }
0x63: {  	_ =	shalt  }
0x64: {  	_ =	shalt  }
0x65: {  	_ =	shalt  }
0x66: {  	_ =	shalt  }
0x67: {  	_ =	shalt  }
0x68: {  	_ =	shalt  }
0x69: {  	_ =	shalt  }
0x6a: {  	_ =	shalt  }
0x6b: {  	_ =	shalt  }
0x6c: {  	_ =	shalt  }
0x6d: {  	_ =	shalt  }
0x6e: {  	_ =	shalt  }
0x6f: {  	_ =	shalt  }
0x70: {  	_ =	shalt  }
0x71: {  	_ =	shalt  }
0x72: {  	_ =	shalt  }
0x73: {  	_ =	shalt  }
0x74: {  	_ =	shalt  }
0x75: {  	_ =	shalt  }
0x76: {  	_ =	shalt  }
0x77: {  	_ =	shalt  }
0x78: {  	_ =	shalt  }
0x79: {  	_ =	shalt  }
0x7a: {  	_ =	shalt  }
0x7b: {  	_ =	shalt  }
0x7c: {  	_ =	shalt  }
0x7d: {  	_ =	shalt  }
0x7e: {  	_ =	shalt  }
0x7f: {  	_ =	shalt  }
0x80: {  	_ =	shalt  }
0x81: {  	_ =	shalt  }
0x82: {  	_ =	shalt  }
0x83: {  	_ =	shalt  }
0x84: {  	_ =	shalt  }
0x85: {  	_ =	shalt  }
0x86: {  	_ =	shalt  }
0x87: {  	_ =	shalt  }
.Lfunc_end0:
.L_simem_size_0:
called_computation_lowered:
.L_overlay_start_0:
0x88: {  	s2 =	sld [smem:$0x3FD9]  }
0x89: {  	s3 =	sld [smem:$0x3FFE];
	_ =	sdelay $0x1  }
0x8a: {  	s1 =	srdreg.scid  }
0x8b: {  	s0 =	sand.u32 $0x1, s1  }
0x8c: {  	s18 =	sshll.u32 s0, $0xA;
	s2 =	sadd.s32 s3, s2  }
0x8d: {  	s2 =	sadd.s32 s2, s18  }
0x8e: {  	[smem:$0x3FC4] =	sst s2  }
0x8f: {  	_ = 	snop  }
0x90: {  	s2 =	sld [smem:$0x3FC9]  }
0x91: {  	s19 =	sld [smem:$0x3FC8]  }
0x92: {  	s4 =	sld [smem:$0x3FC7]  }
0x93: {  	s5 =	sld [smem:$0x3FC6]  }
0x94: {  	s6 =	sld [smem:$0x3FD0];
	(tm) =	ssettm $0x1  }
0x95: {  	s7 =	sld [smem:$0x3FFB];
	_ =	sdelay $0x3  }
0x96: {  	_ =	strace s7  }
0x97: {  	s7 =	sld [smem:$0x3FFC];
	_ =	sdelay $0x3  }
0x98: {  	_ =	strace s7  }
0x99: {  	s7 =	sld [smem:$0x3FFD];
	_ =	sdelay $0x3  }
0x9a: {  	_ =	strace s7  }
0x9b: {  	_ =	strace $0x8FFFFFFF  }
0x9c: {  	s20 =	sld [smem:$0x3FDB];
	_ =	sdelay $0x1  }
0x9d: {  	s8 =	simm.s32 $_scs_section_size  }
0x9e: {  	s9 =	simm.s32 $_size__tile_overlayer_lowered;
	s10 =	simm.s32 $_tile_overlayer_lowered  }
0x9f: {  	s23 =	simm.s32 $0x1BFF;
	s22 =	sshll.u32 s10, $0x1;
	s7 =	sadd.s32 s8, s20  }
0xa0: {  	s11 =	simm.s32 $0x0;
	s21 =	sshll.u32 s9, $0x1;
	s9 =	sadd.s32 s22, s7  }
0xa1: {  	[timem:s11], [sflag:s23] =	dma.local [hbm:s9], s21  }
0xa2: {  	_ =	swait.ge [sflag:s23], s21  }
0xa3: {  	s8 =	ssub.s32 $0x0, s21;
	[sflag:s23] =	ssyncset.done $0x0  }
0xa4: {  	[sflag:s23] =	ssyncadd.s32 s8;
	_ =	sdelay $0x1  }
0xa5: {  	s24 =	simm.s32 $0x1B8B  }
0xa6: {  	_ =	swait.ge [sflag:s24], $0x1  }
0xa7: {  	[sflag:s24] =	ssyncset.done $0x0  }
0xa8: {  	s25 =	simm.s32 $0x1B8E;
	[sflag:s24] =	ssyncadd.s32 $0xFFFFFFFF  }
0xa9: {  	s26 =	simm.s32 $execute0_lowered;
	[smem:$0x3FD2] =	sst s25  }
0xaa: {  	s8 =	sshll.u32 s26, $0x1;
	_ =	strace $0x80000046;
	[dreg:$0x1] =	wrdreg $0xFFFFFFFF  }
0xab: {  	s28 =	simm.s32 $_size_execute0_lowered;
	s7 =	sadd.s32 s7, s8;
	[dreg:$0x0] =	wrdreg $0x0  }
0xac: {  	s8 =	sshll.u32 s28, $0x1;
	[dreg:$0x2] =	wrdreg s7  }
0xad: {  	[dreg:$0x3] =	wrdreg s8  }
0xae: {  	[dreg:$0x4] =	wrdreg $0xC0  }
0xaf: {  	_ =	task [dreg:s11], $0x5FFFF  }
0xb0: {  	[dreg:$0x1] =	wrdreg $0xFFFFFFFF  }
0xb1: {  	[dreg:$0x0] =	wrdreg $0x60  }
0xb2: {  	[dreg:$0x2] =	wrdreg s2  }
0xb3: {  	[dreg:$0x3] =	wrdreg s19  }
0xb4: {  	[dreg:$0x4] =	wrdreg s4  }
0xb5: {  	[dreg:$0x5] =	wrdreg s5  }
0xb6: {  	[dreg:$0x6] =	wrdreg s6  }
0xb7: {  	[dreg:$0x7] =	wrdreg $0x9  }
0xb8: {  	_ =	task.clear_ibuf [dreg:s11], $0x8FFFF;
	_ =	strace $0x90000046  }
0xb9: {  	s29 =	simm.s32 $0x9;
	_ =	strace $0x80000048  }
0xba: {  	_ =	swait.ge [sflag:s29], $0x1  }
0xbb: {  	[sflag:s29] =	ssyncadd.s32 $0xFFFFFFFF  }
0xbc: {  	_ =	strace $0x90000048  }
0xbd: {  	_ =	sfence  }
0xbe: {  	s30 =	sld [smem:$0x0];
	_ =	sdelay $0x2  }
0xbf: {  	s31 =	sshll.u32 s1, $0xD;
	s1 =	sshrl.u32 s1, $0x2  }
0xc0: {  	s3 =	sand.u32 $0x4000, s31;
	s1 =	sadd.s32 s1, s30  }
0xc1: {  	s0 =	sor.u32 s3, s0;
	s1 =	sshll.u32 s1, $0x11  }
0xc2: {  	s0 =	sor.u32 s1, s0  }
0xc3: {  	s0 =	sadd.s32 $0x8F2B, s0  }
0xc4: {  	[sflag:s0] =	ssyncadd.remote.s32 $0x1  }
0xc5: {  	_ =	sfence.sel $0xFFFF  }
0xc6: {  	[dreg:$0x0] =	wrdreg $0xFFFFFFFF;
	(pc) =	sbr.abs _section_cstart, $3  }
0xc7: {  	[dreg:$0x1] =	wrdreg $0xFFFFFFFF  }
0xc8: {  	_ =	task.clear_ibuf [dreg:s11], $0x2FFFF;
	_ =	strace $0x9FFFFFFF  }
0xc9: {  	(tm) =	ssettm $0x7FFFFFFF  }
tec
execute0_lowered:
.L_overlay_start_1:
0x0: {  	(tag) =	ssettag $0x1  }
0x1: {  	s5 =	rddreg [dreg:$0x0]  }
0x2: {  	s6 =	rddreg [dreg:$0x1]  }
0x3: {  	s1 =	rddreg [dreg:$0x2]  }
0x4: {  	s2 =	rddreg [dreg:$0x3]  }
0x5: {  	s7 =	rddreg [dreg:$0x4]  }
0x6: {  	s0 =	rddreg [dreg:$0x5];
	s4 =	simm.s32 $0x0;
	s8 =	srdreg.scid  }
0x7: {  	s3 =	stileid.u32;
	s12 =	simm.s32 $0x400;
	s13 =	simm.s32 $0x8400  }
0x8: {  	s14 =	simm.s32 $0x1;
	s15 =	simm.s32 $0x4400;
	s16 =	simm.s32 $0x280  }
0x9: {  	s17 =	simm.s32 $0xC400;
	s18 =	simm.s32 $0x2;
	s19 =	simm.s32 $0x100  }
0xa: {  	s20 =	simm.s32 $0x300;
	s21 =	simm.s32 $0x180;
	s22 =	simm.s32 $0x380  }
0xb: {  	s23 =	simm.s32 $0x10400;
	s24 =	simm.s32 $0x0;
	s8 =	sand.u32 $0x1, s8  }
0xc: {  	[smem:$0x7FF] =	sst s4;
	s10 =	sshll.u32 s3, $0x7;
	s9 =	ssub.s32 $0x2, s8  }
0xd: {  	s8 =	sshll.u32 s8, $0x6;
	_ =	strace $0x80000047;
	s11 =	sshrl.u32 s9, $0x1  }
0xe: {  	s8 =	sor.u32 s8, s10;
	s10 =	simm.s32 $0x200;
	s9 =	ssub.s32 s9, s11  }
0xf: {  	s5 =	sadd.s32 s5, s8;
	s6 =	sadd.s32 s6, s8;
	s7 =	sadd.s32 s7, s8  }
0x10: {  	s11 =	simm.s32 $0x80;
	s8 =	smax.u32 s9, $0x1;
	s9 =	simm.s32 $0x3  }
.LBB2_1:
0x11: {  	[tilespmem:s4], [sflag:$0x3] =	stream.linear.gather [hbm4b:s5+s4], $0x200, $0x38;
	[tilespmem:$0x10600] =	vst v63  }
0x12: {  	_ =	swait.ge [sflag:s9], $0x200  }
0x13: {  	[sflag:s9] =	ssyncset.done $0x0  }
0x14: {  	[sflag:s9] =	ssyncadd.s32 $0xFFFFFE00  }
0x15: {  	[tilespmem:s10], [sflag:$0x3] =	stream.linear.gather [hbm4b:s6+s4], $0x200, $0x38;
	[tilespmem:$0x10600] =	vst v63  }
0x16: {  	_ =	swait.ge [sflag:s9], $0x200  }
0x17: {  	[sflag:s9] =	ssyncset.done $0x0  }
0x18: {  	[sflag:s9] =	ssyncadd.s32 $0xFFFFFE00  }
0x19: {  	[tilespmem:s12], [sflag:$0x1] =	stream.indirect.gather [hbm4b:s1+s11], $0x80, s4, s11, $0xb8;
	[tilespmem:$0x10600] =	vst v63  }
0x1a: {  	_ = 	snop  }
0x1b: {  	[tilespmem:s13], [sflag:$0x1] =	stream.indirect.gather [hbm4b:s2+s11], $0x80, s10, s11, $0xb8;
	[tilespmem:$0x10600] =	vst v63  }
0x1c: {  	_ =	swait.ge [sflag:s14], $0x4000  }
0x1d: {  	[sflag:s14] =	ssyncset.done $0x0  }
0x1e: {  	[sflag:s14] =	ssyncadd.s32 $0xFFFFC000  }
0x1f: {  	_ =	swait.ge [sflag:s14], $0x4000  }
0x20: {  	[sflag:s14] =	ssyncset.done $0x0  }
0x21: {  	[sflag:s14] =	ssyncadd.s32 $0xFFFFC000  }
0x22: {  	[tilespmem:s15], [sflag:$0x2] =	stream.indirect.gather [hbm4b:s1+s11], $0x80, s11, s11, $0xb8;
	[tilespmem:$0x10600] =	vst v63  }
0x23: {  	s25 =	simm.s32 $0x0  }
0x24: {  	[tilespmem:s17], [sflag:$0x2] =	stream.indirect.gather [hbm4b:s2+s11], $0x80, s16, s11, $0xb8;
	[tilespmem:$0x10600] =	vst v63  }
.LBB2_2:
0x25: {  	s26 =	sshll.u32 s25, $0x4;
	v2 =	vlaneseq.u32  }
0x26: {  	v0 =	vmov s26;
	v1 =	vmul.u32 $0x80, v2  }
0x27: {  	v0 =	vshll.u32 v0, $0x7  }
0x28: {  	v0 =	vor.u32 v1, v0  }
0x29: {  	v1 =	vor.u32 v0, v2;
	_ =	sdelay $0x1  }
0x2a: {  	v3 =	vadd.s32 $0x1, v2  }
0x2b: {  	v3 =	vand.u32 $0x7F, v3  }
0x2c: {  	v4 =	vadd.s32 $0x2, v2;
	v3 =	vor.u32 v0, v3  }
0x2d: {  	v4 =	vand.u32 $0x7F, v4;
	v5 =	vld.idx.msk [tilespmem:v1+s12+$0x0], $0xffff  }
0x2e: {  	v4 =	vor.u32 v0, v4;
	v6 =	vld.idx.msk [tilespmem:v1+s13+$0x0], $0xffff;
	v1 =	vadd.s32 $0x3, v2  }
0x2f: {  	v1 =	vand.u32 $0x7F, v1  }
0x30: {  	v13 =	vadd.s32 $0x5, v2;
	v7 =	vor.u32 v0, v1;
	v1 =	vadd.s32 $0x4, v2  }
0x31: {  	v8 =	vimm.f32 $0.0e+00;
	v13 =	vand.u32 $0x7F, v13;
	v10 =	vld.idx.msk [tilespmem:v3+s12+$0x0], $0xffff;
	v11 =	vand.u32 $0x7F, v1  }
0x32: {  	v9 =	vadd.s32 $0x8, v2;
	v13 =	vor.u32 v0, v13;
	v3 =	vld.idx.msk [tilespmem:v3+s13+$0x0], $0xffff;
	v11 =	vor.u32 v0, v11  }
0x33: {  	v14 =	vld.idx.msk [tilespmem:v4+s12+$0x0], $0xffff;
	v1 =	vand.u32 $0x7F, v9;
	v9 =	vadd.s32 $0x7, v2;
	v2 =	vadd.s32 $0x6, v2  }
0x34: {  	v4 =	vld.idx.msk [tilespmem:v4+s13+$0x0], $0xffff;
	v2 =	vand.u32 $0x7F, v2;
	v12 =	vmul.f32 v6, v5;
	v5 =	vmul.f32 v5, v5  }
0x35: {  	v9 =	vand.u32 $0x7F, v9;
	v6 =	vmul.f32 v6, v6;
	v2 =	vor.u32 v0, v2;
	v15 =	vld.idx.msk [tilespmem:v7+s12+$0x0], $0xffff  }
0x36: {  	v16 =	vmul.f32 v10, v10;
	v18 =	vor.u32 v0, v9;
	v7 =	vld.idx.msk [tilespmem:v7+s13+$0x0], $0xffff;
	v5 =	vadd.f32 v5, v8  }
0x37: {  	v9 =	vmul.f32 v3, v10;
	v3 =	vmul.f32 v3, v3;
	v6 =	vadd.f32 v6, v8;
	v17 =	vld.idx.msk [tilespmem:v11+s12+$0x0], $0xffff  }
0x38: {  	v10 =	vmul.f32 v14, v14;
	v8 =	vadd.f32 v12, v8;
	v11 =	vld.idx.msk [tilespmem:v11+s13+$0x0], $0xffff;
	v5 =	vadd.f32 v16, v5  }
0x39: {  	v19 =	vld.idx.msk [tilespmem:v13+s13+$0x0], $0xffff;
	v14 =	vmul.f32 v4, v14;
	v12 =	vmul.f32 v4, v4;
	v3 =	vadd.f32 v3, v6  }
0x3a: {  	v16 =	vor.u32 v0, v1;
	v8 =	vadd.f32 v9, v8;
	v4 =	vadd.f32 v10, v5;
	v5 =	vld.idx.msk [tilespmem:v13+s12+$0x0], $0xffff  }
0x3b: {  	v20 =	vadd.s32 $0x8, v1;
	v3 =	vadd.f32 v12, v3;
	v10 =	vmul.f32 v15, v15  }
0x3c: {  	v13 =	vld.idx.msk [tilespmem:v2+s12+$0x0], $0xffff;
	v8 =	vadd.f32 v14, v8;
	v6 =	vmul.f32 v7, v15;
	v7 =	vmul.f32 v7, v7  }
0x3d: {  	v12 =	vld.idx.msk [tilespmem:v2+s13+$0x0], $0xffff;
	v9 =	vmul.f32 v17, v17;
	v15 =	vadd.f32 v10, v4;
	v4 =	vmul.f32 v11, v17  }
0x3e: {  	v2 =	vld.idx.msk [tilespmem:v18+s13+$0x0], $0xffff;
	v14 =	vmul.f32 v11, v11;
	v17 =	vadd.f32 v7, v3;
	v7 =	vadd.f32 v6, v8  }
0x3f: {  	v3 =	vld.idx.msk [tilespmem:v16+s12+$0x0], $0xffff;
	v15 =	vadd.f32 v9, v15;
	v6 =	vmul.f32 v19, v5;
	v5 =	vmul.f32 v5, v5  }
0x40: {  	v63 =	vmul.f32 v19, v19;
	v10 =	vand.u32 $0x7F, v20;
	v9 =	vld.idx.msk [tilespmem:v16+s13+$0x0], $0xffff  }
0x41: {  	v8 =	vadd.s32 $0x1, v1;
	v14 =	vadd.f32 v14, v17;
	v15 =	vadd.f32 v5, v15;
	v5 =	vld.idx.msk [tilespmem:v18+s12+$0x0], $0xffff  }
0x42: {  	v11 =	vadd.s32 $0x7, v1;
	v8 =	vand.u32 $0x7F, v8;
	v17 =	vadd.s32 $0x2, v1  }
0x43: {  	s28 =	simm.s32 $0x8;
	v16 =	vor.u32 v0, v8;
	v8 =	vmul.f32 v12, v13;
	v14 =	vadd.f32 v63, v14  }
.LBB2_3:
0x44: {  	s28 =	sadd.s32 $0x8, s28;
	v17 =	vand.u32 $0x7F, v17;
	v18 =	vadd.s32 $0x3, v1;
	v19 =	vmul.f32 v2, v2  }
0x45: {  	v20 =	vmul.f32 v9, v3;
	v13 =	vmul.f32 v13, v13;
	p0 =	slt.u32 s28, $0x78;
	v17 =	vor.u32 v0, v17  }
0x46: {  	v9 =	vmul.f32 v9, v9;
	v18 =	vand.u32 $0x7F, v18;
	v21 =	vmul.f32 v5, v5  }
0x47: {  	v22 =	vadd.s32 $0x4, v1;
	v12 =	vmul.f32 v12, v12;
	v18 =	vor.u32 v0, v18  }
0x48: {  	v4 =	vadd.f32 v4, v7;
	v22 =	vand.u32 $0x7F, v22;
	v7 =	vadd.f32 v13, v15;
	v23 =	vld.idx.msk [tilespmem:v16+s12+$0x0], $0xffff  }
0x49: {  	v15 =	vor.u32 v0, v22;
	v12 =	vadd.f32 v12, v14;
	v13 =	vld.idx.msk [tilespmem:v16+s13+$0x0], $0xffff;
	v16 =	vadd.s32 $0x5, v1  }
0x4a: {  	v11 =	vand.u32 $0x7F, v11;
	v4 =	vadd.f32 v6, v4;
	v14 =	vld.idx.msk [tilespmem:v17+s12+$0x0], $0xffff;
	v16 =	vand.u32 $0x7F, v16  }
0x4b: {  	v7 =	vadd.f32 v21, v7;
	v6 =	vld.idx.msk [tilespmem:v17+s13+$0x0], $0xffff;
	v16 =	vor.u32 v0, v16;
	v17 =	vadd.s32 $0x6, v1;
	v1 =	vmovc v10  }
0x4c: {  	v3 =	vmul.f32 v3, v3;
	v4 =	vadd.f32 v8, v4;
	v21 =	vld.idx.msk [tilespmem:v18+s12+$0x0], $0xffff;
	v17 =	vand.u32 $0x7F, v17  }
0x4d: {  	v2 =	vmul.f32 v2, v5;
	v5 =	vadd.f32 v19, v12;
	v8 =	vld.idx.msk [tilespmem:v18+s13+$0x0], $0xffff;
	v17 =	vor.u32 v0, v17  }
0x4e: {  	v11 =	vor.u32 v0, v11;
	v3 =	vadd.f32 v3, v7;
	v7 =	vmul.f32 v23, v23;
	v12 =	vld.idx.msk [tilespmem:v15+s12+$0x0], $0xffff  }
0x4f: {  	v2 =	vadd.f32 v2, v4;
	v18 =	vmul.f32 v13, v23;
	v13 =	vmul.f32 v13, v13;
	v15 =	vld.idx.msk [tilespmem:v15+s13+$0x0], $0xffff  }
0x50: {  	v4 =	vadd.f32 v9, v5;
	v3 =	vadd.f32 v7, v3;
	v5 =	vmul.f32 v14, v14;
	v19 =	vld.idx.msk [tilespmem:v16+s13+$0x0], $0xffff  }
0x51: {  	v9 =	vadd.f32 v20, v2;
	v7 =	vor.u32 v0, v10;
	v20 =	vmul.f32 v6, v6  }
0x52: {  	v10 =	vadd.s32 $0x8, v10;
	v6 =	vmul.f32 v6, v14;
	v3 =	vadd.f32 v5, v3;
	v5 =	vld.idx.msk [tilespmem:v16+s12+$0x0], $0xffff  }
0x53: {  	v4 =	vadd.f32 v13, v4;
	v14 =	vmul.f32 v8, v21;
	v16 =	vmul.f32 v21, v21;
	v2 =	vld.idx.msk [tilespmem:v11+s13+$0x0], $0xffff  }
0x54: {  	v9 =	vadd.f32 v18, v9;
	v8 =	vmul.f32 v8, v8;
	v18 =	vmul.f32 v12, v12;
	v13 =	vld.idx.msk [tilespmem:v17+s12+$0x0], $0xffff  }
0x55: {  	v20 =	vadd.f32 v20, v4;
	v16 =	vadd.f32 v16, v3;
	v4 =	vmul.f32 v15, v12;
	v12 =	vld.idx.msk [tilespmem:v17+s13+$0x0], $0xffff  }
0x56: {  	v10 =	vand.u32 $0x7F, v10;
	v6 =	vadd.f32 v6, v9;
	v15 =	vmul.f32 v15, v15;
	v3 =	vld.idx.msk [tilespmem:v7+s12+$0x0], $0xffff  }
.Ltmp0:
0x57: {  	v8 =	vadd.f32 v8, v20;
	v16 =	vadd.f32 v18, v16;
	v18 =	vmul.f32 v19, v19;
	v9 =	vld.idx.msk [tilespmem:v7+s13+$0x0], $0xffff;
	(pc) =	sbr.rel @p0 .LBB2_3-.Ltmp0, $4  }
0x58: {  	v7 =	vadd.f32 v14, v6;
	v6 =	vmul.f32 v19, v5;
	v14 =	vmul.f32 v5, v5;
	v5 =	vld.idx.msk [tilespmem:v11+s12+$0x0], $0xffff  }
0x59: {  	v17 =	vadd.s32 $0x1, v1;
	v8 =	vadd.f32 v15, v8;
	v11 =	vadd.s32 $0x7, v1  }
0x5a: {  	v19 =	vand.u32 $0x7F, v17;
	v17 =	vadd.s32 $0x2, v1;
	v15 =	vadd.f32 v14, v16  }
0x5b: {  	v16 =	vor.u32 v0, v19;
	v14 =	vadd.f32 v18, v8;
	v8 =	vmul.f32 v12, v13  }
0x5c: {  	v10 =	vand.u32 $0x7F, v17  }
0x5d: {  	v58 =	vadd.s32 $0x3, v1;
	v10 =	vor.u32 v0, v10  }
0x5e: {  	v13 =	vmul.f32 v13, v13;
	v17 =	vand.u32 $0x7F, v58  }
0x5f: {  	v19 =	vadd.s32 $0x4, v1;
	v12 =	vmul.f32 v12, v12;
	v17 =	vor.u32 v0, v17  }
0x60: {  	v20 =	vld.idx.msk [tilespmem:v16+s12+$0x0], $0xffff;
	v21 =	vadd.s32 $0x5, v1;
	v62 =	vmul.f32 v2, v2;
	v19 =	vand.u32 $0x7F, v19  }
0x61: {  	v59 =	vld.idx.msk [tilespmem:v16+s13+$0x0], $0xffff;
	v18 =	vmul.f32 v5, v5;
	v13 =	vadd.f32 v13, v15;
	v60 =	vor.u32 v0, v19  }
0x62: {  	v28 =	vadd.s32 $0x6, v1;
	v61 =	vand.u32 $0x7F, v21;
	v12 =	vadd.f32 v12, v14;
	v63 =	vld.idx.msk [tilespmem:v10+s12+$0x0], $0xffff  }
0x63: {  	v29 =	vmul.f32 v3, v3;
	v19 =	vor.u32 v0, v61;
	v13 =	vadd.f32 v18, v13;
	v10 =	vld.idx.msk [tilespmem:v10+s13+$0x0], $0xffff  }
0x64: {  	v22 =	vmul.f32 v9, v9;
	v1 =	vand.u32 $0x7F, v28;
	v12 =	vadd.f32 v62, v12;
	v23 =	vld.idx.msk [tilespmem:v17+s12+$0x0], $0xffff  }
0x65: {  	v1 =	vor.u32 v0, v1;
	v30 =	vmul.f32 v20, v20;
	v13 =	vadd.f32 v29, v13;
	v17 =	vld.idx.msk [tilespmem:v17+s13+$0x0], $0xffff  }
0x66: {  	v11 =	vand.u32 $0x7F, v11;
	v24 =	vmul.f32 v59, v59;
	v12 =	vadd.f32 v22, v12;
	v31 =	vld.idx.msk [tilespmem:v60+s12+$0x0], $0xffff  }
0x67: {  	v32 =	vor.u32 v0, v11;
	v33 =	vld.idx.msk [tilespmem:v60+s13+$0x0], $0xffff;
	v13 =	vadd.f32 v30, v13  }
0x68: {  	v36 =	vld.idx.msk [tilespmem:v19+s12+$0x0], $0xffff;
	v12 =	vadd.f32 v24, v12;
	v34 =	vmul.f32 v63, v63;
	v35 =	vmul.f32 v10, v10  }
0x69: {  	v19 =	vld.idx.msk [tilespmem:v19+s13+$0x0], $0xffff;
	v37 =	vmul.f32 v23, v23  }
0x6a: {  	v25 =	vld.idx.msk [tilespmem:v1+s12+$0x0], $0xffff;
	v38 =	vmul.f32 v17, v17;
	v13 =	vadd.f32 v34, v13;
	v12 =	vadd.f32 v35, v12  }
0x6b: {  	v1 =	vld.idx.msk [tilespmem:v1+s13+$0x0], $0xffff;
	v39 =	vmul.f32 v31, v31  }
0x6c: {  	v40 =	vld.idx.msk [tilespmem:v32+s13+$0x0], $0xffff;
	v41 =	vmul.f32 v33, v33;
	v13 =	vadd.f32 v37, v13;
	v12 =	vadd.f32 v38, v12  }
0x6d: {  	v0 =	vld.idx.msk [tilespmem:v32+s12+$0x0], $0xffff;
	v42 =	vmul.f32 v36, v36  }
0x6e: {  	v43 =	vmul.f32 v19, v19;
	v13 =	vadd.f32 v39, v13;
	v12 =	vadd.f32 v41, v12  }
0x6f: {  	v44 =	vmul.f32 v25, v25  }
0x70: {  	v45 =	vmul.f32 v1, v1;
	v13 =	vadd.f32 v42, v13;
	v12 =	vadd.f32 v43, v12  }
0x71: {  	v46 =	vmul.f32 v40, v40  }
0x72: {  	v47 =	vmul.f32 v0, v0;
	v13 =	vadd.f32 v44, v13;
	v12 =	vadd.f32 v45, v12;
	_ =	sdelay $0x1  }
0x73: {  	v13 =	vadd.f32 v47, v13;
	v12 =	vadd.f32 v46, v12;
	_ =	sdelay $0x1  }
0x74: {  	v12 =	vmul.f32 v12, v13;
	_ =	sdelay $0x1  }
0x75: {  	v13 =	vshra.s32 v12, $0x1;
	v12 =	vmul.f32 $5.000000000e-01, v12  }
0x76: {  	v13 =	vsub.s32 $0x5F3759DF, v13  }
0x77: {  	v4 =	vadd.f32 v4, v7;
	v48 =	vmul.f32 v13, v12;
	_ =	sdelay $0x1  }
0x78: {  	v4 =	vadd.f32 v6, v4;
	v49 =	vmul.f32 v13, v48;
	_ =	sdelay $0x1  }
0x79: {  	v50 =	vmul.f32 v2, v5;
	v4 =	vadd.f32 v8, v4;
	v51 =	vsub.f32 $1.500000000e+00, v49;
	_ =	sdelay $0x1  }
0x7a: {  	v52 =	vmul.f32 v9, v3;
	v2 =	vadd.f32 v50, v4;
	v53 =	vmul.f32 v13, v51;
	_ =	sdelay $0x1  }
0x7b: {  	v54 =	vmul.f32 v59, v20;
	v2 =	vadd.f32 v52, v2;
	v55 =	vmul.f32 v53, v12;
	_ =	sdelay $0x1  }
0x7c: {  	v2 =	vadd.f32 v54, v2;
	v56 =	vmul.f32 v10, v63;
	v3 =	vmul.f32 v55, v53;
	_ =	sdelay $0x1  }
0x7d: {  	v57 =	vmul.f32 v17, v23;
	v2 =	vadd.f32 v56, v2;
	v3 =	vsub.f32 $1.500000000e+00, v3;
	_ =	sdelay $0x1  }
0x7e: {  	v58 =	vmul.f32 v33, v31;
	v2 =	vadd.f32 v57, v2;
	v3 =	vmul.f32 v3, v53;
	_ =	sdelay $0x1  }
0x7f: {  	v59 =	vmul.f32 v19, v36;
	v2 =	vadd.f32 v58, v2;
	v60 =	vmul.f32 v3, v12;
	_ =	sdelay $0x1  }
0x80: {  	v1 =	vmul.f32 v1, v25;
	v2 =	vadd.f32 v59, v2;
	v61 =	vmul.f32 v60, v3;
	_ =	sdelay $0x1  }
0x81: {  	s25 =	sadd.s32 $0x1, s25;
	v0 =	vmul.f32 v40, v0;
	v1 =	vadd.f32 v1, v2;
	v62 =	vsub.f32 $1.500000000e+00, v61  }
0x82: {  	p0 =	sne.s32 s25, $0x8  }
.Ltmp1:
0x83: {  	v0 =	vadd.f32 v0, v1;
	v63 =	vmul.f32 v62, v3;
	(pc) =	sbr.rel @p0 .LBB2_2-.Ltmp1, $3  }
0x84: {  	_ = 	snop  }
0x85: {  	v0 =	vmul.f32 v63, v0;
	_ =	sdelay $0x1  }
0x86: {  	[tilespmem:s26+$0x10400] =	vst v0  }
0x87: {  	_ =	swait.ge [sflag:s18], $0x4000  }
0x88: {  	[sflag:s18] =	ssyncset.done $0x0  }
0x89: {  	[sflag:s18] =	ssyncadd.s32 $0xFFFFC000  }
0x8a: {  	_ =	swait.ge [sflag:s18], $0x4000  }
0x8b: {  	[sflag:s18] =	ssyncset.done $0x0  }
0x8c: {  	[sflag:s18] =	ssyncadd.s32 $0xFFFFC000  }
0x8d: {  	[tilespmem:s12], [sflag:$0x1] =	stream.indirect.gather [hbm4b:s1+s11], $0x80, s19, s11, $0xb8;
	[tilespmem:$0x10600] =	vst v63  }
0x8e: {  	s25 =	simm.s32 $0x0  }
0x8f: {  	[tilespmem:s13], [sflag:$0x1] =	stream.indirect.gather [hbm4b:s2+s11], $0x80, s20, s11, $0xb8;
	[tilespmem:$0x10600] =	vst v63  }
.LBB2_6:
0x90: {  	s26 =	sshll.u32 s25, $0x4;
	v2 =	vlaneseq.u32  }
0x91: {  	v0 =	vmov s26;
	v1 =	vmul.u32 $0x80, v2  }
0x92: {  	v0 =	vshll.u32 v0, $0x7  }
0x93: {  	v0 =	vor.u32 v1, v0  }
0x94: {  	v1 =	vor.u32 v0, v2;
	_ =	sdelay $0x1  }
0x95: {  	v3 =	vadd.s32 $0x1, v2  }
0x96: {  	v3 =	vand.u32 $0x7F, v3  }
0x97: {  	v4 =	vadd.s32 $0x2, v2;
	v3 =	vor.u32 v0, v3  }
0x98: {  	v4 =	vand.u32 $0x7F, v4;
	v5 =	vld.idx.msk [tilespmem:v1+s15+$0x0], $0xffff  }
0x99: {  	v4 =	vor.u32 v0, v4;
	v6 =	vld.idx.msk [tilespmem:v1+s17+$0x0], $0xffff;
	v1 =	vadd.s32 $0x3, v2  }
0x9a: {  	v1 =	vand.u32 $0x7F, v1  }
0x9b: {  	v13 =	vadd.s32 $0x5, v2;
	v7 =	vor.u32 v0, v1;
	v1 =	vadd.s32 $0x4, v2  }
0x9c: {  	v8 =	vimm.f32 $0.0e+00;
	v13 =	vand.u32 $0x7F, v13;
	v10 =	vld.idx.msk [tilespmem:v3+s15+$0x0], $0xffff;
	v11 =	vand.u32 $0x7F, v1  }
0x9d: {  	v9 =	vadd.s32 $0x8, v2;
	v13 =	vor.u32 v0, v13;
	v3 =	vld.idx.msk [tilespmem:v3+s17+$0x0], $0xffff;
	v11 =	vor.u32 v0, v11  }
0x9e: {  	v14 =	vld.idx.msk [tilespmem:v4+s15+$0x0], $0xffff;
	v1 =	vand.u32 $0x7F, v9;
	v9 =	vadd.s32 $0x7, v2;
	v2 =	vadd.s32 $0x6, v2  }
0x9f: {  	v4 =	vld.idx.msk [tilespmem:v4+s17+$0x0], $0xffff;
	v2 =	vand.u32 $0x7F, v2;
	v12 =	vmul.f32 v6, v5;
	v5 =	vmul.f32 v5, v5  }
0xa0: {  	v9 =	vand.u32 $0x7F, v9;
	v6 =	vmul.f32 v6, v6;
	v2 =	vor.u32 v0, v2;
	v15 =	vld.idx.msk [tilespmem:v7+s15+$0x0], $0xffff  }
0xa1: {  	v16 =	vmul.f32 v10, v10;
	v18 =	vor.u32 v0, v9;
	v7 =	vld.idx.msk [tilespmem:v7+s17+$0x0], $0xffff;
	v5 =	vadd.f32 v5, v8  }
0xa2: {  	v9 =	vmul.f32 v3, v10;
	v3 =	vmul.f32 v3, v3;
	v6 =	vadd.f32 v6, v8;
	v17 =	vld.idx.msk [tilespmem:v11+s15+$0x0], $0xffff  }
0xa3: {  	v10 =	vmul.f32 v14, v14;
	v8 =	vadd.f32 v12, v8;
	v11 =	vld.idx.msk [tilespmem:v11+s17+$0x0], $0xffff;
	v5 =	vadd.f32 v16, v5  }
0xa4: {  	v19 =	vld.idx.msk [tilespmem:v13+s17+$0x0], $0xffff;
	v14 =	vmul.f32 v4, v14;
	v12 =	vmul.f32 v4, v4;
	v3 =	vadd.f32 v3, v6  }
0xa5: {  	v16 =	vor.u32 v0, v1;
	v8 =	vadd.f32 v9, v8;
	v4 =	vadd.f32 v10, v5;
	v5 =	vld.idx.msk [tilespmem:v13+s15+$0x0], $0xffff  }
0xa6: {  	v20 =	vadd.s32 $0x8, v1;
	v3 =	vadd.f32 v12, v3;
	v10 =	vmul.f32 v15, v15  }
0xa7: {  	v13 =	vld.idx.msk [tilespmem:v2+s15+$0x0], $0xffff;
	v8 =	vadd.f32 v14, v8;
	v6 =	vmul.f32 v7, v15;
	v7 =	vmul.f32 v7, v7  }
0xa8: {  	v12 =	vld.idx.msk [tilespmem:v2+s17+$0x0], $0xffff;
	v9 =	vmul.f32 v17, v17;
	v15 =	vadd.f32 v10, v4;
	v4 =	vmul.f32 v11, v17  }
0xa9: {  	v2 =	vld.idx.msk [tilespmem:v18+s17+$0x0], $0xffff;
	v14 =	vmul.f32 v11, v11;
	v17 =	vadd.f32 v7, v3;
	v7 =	vadd.f32 v6, v8  }
0xaa: {  	v3 =	vld.idx.msk [tilespmem:v16+s15+$0x0], $0xffff;
	v15 =	vadd.f32 v9, v15;
	v6 =	vmul.f32 v19, v5;
	v5 =	vmul.f32 v5, v5  }
0xab: {  	v63 =	vmul.f32 v19, v19;
	v10 =	vand.u32 $0x7F, v20;
	v9 =	vld.idx.msk [tilespmem:v16+s17+$0x0], $0xffff  }
0xac: {  	v8 =	vadd.s32 $0x1, v1;
	v14 =	vadd.f32 v14, v17;
	v15 =	vadd.f32 v5, v15;
	v5 =	vld.idx.msk [tilespmem:v18+s15+$0x0], $0xffff  }
0xad: {  	v11 =	vadd.s32 $0x7, v1;
	v8 =	vand.u32 $0x7F, v8;
	v17 =	vadd.s32 $0x2, v1  }
0xae: {  	s28 =	simm.s32 $0x8;
	v16 =	vor.u32 v0, v8;
	v8 =	vmul.f32 v12, v13;
	v14 =	vadd.f32 v63, v14  }
.LBB2_7:
0xaf: {  	s28 =	sadd.s32 $0x8, s28;
	v17 =	vand.u32 $0x7F, v17;
	v18 =	vadd.s32 $0x3, v1;
	v19 =	vmul.f32 v2, v2  }
0xb0: {  	v20 =	vmul.f32 v9, v3;
	v13 =	vmul.f32 v13, v13;
	p0 =	slt.u32 s28, $0x78;
	v17 =	vor.u32 v0, v17  }
0xb1: {  	v9 =	vmul.f32 v9, v9;
	v18 =	vand.u32 $0x7F, v18;
	v21 =	vmul.f32 v5, v5  }
0xb2: {  	v22 =	vadd.s32 $0x4, v1;
	v12 =	vmul.f32 v12, v12;
	v18 =	vor.u32 v0, v18  }
0xb3: {  	v4 =	vadd.f32 v4, v7;
	v22 =	vand.u32 $0x7F, v22;
	v7 =	vadd.f32 v13, v15;
	v23 =	vld.idx.msk [tilespmem:v16+s15+$0x0], $0xffff  }
0xb4: {  	v15 =	vor.u32 v0, v22;
	v12 =	vadd.f32 v12, v14;
	v13 =	vld.idx.msk [tilespmem:v16+s17+$0x0], $0xffff;
	v16 =	vadd.s32 $0x5, v1  }
0xb5: {  	v11 =	vand.u32 $0x7F, v11;
	v4 =	vadd.f32 v6, v4;
	v14 =	vld.idx.msk [tilespmem:v17+s15+$0x0], $0xffff;
	v16 =	vand.u32 $0x7F, v16  }
0xb6: {  	v7 =	vadd.f32 v21, v7;
	v6 =	vld.idx.msk [tilespmem:v17+s17+$0x0], $0xffff;
	v16 =	vor.u32 v0, v16;
	v17 =	vadd.s32 $0x6, v1;
	v1 =	vmovc v10  }
0xb7: {  	v3 =	vmul.f32 v3, v3;
	v4 =	vadd.f32 v8, v4;
	v21 =	vld.idx.msk [tilespmem:v18+s15+$0x0], $0xffff;
	v17 =	vand.u32 $0x7F, v17  }
0xb8: {  	v2 =	vmul.f32 v2, v5;
	v5 =	vadd.f32 v19, v12;
	v8 =	vld.idx.msk [tilespmem:v18+s17+$0x0], $0xffff;
	v17 =	vor.u32 v0, v17  }
0xb9: {  	v11 =	vor.u32 v0, v11;
	v3 =	vadd.f32 v3, v7;
	v7 =	vmul.f32 v23, v23;
	v12 =	vld.idx.msk [tilespmem:v15+s15+$0x0], $0xffff  }
0xba: {  	v2 =	vadd.f32 v2, v4;
	v18 =	vmul.f32 v13, v23;
	v13 =	vmul.f32 v13, v13;
	v15 =	vld.idx.msk [tilespmem:v15+s17+$0x0], $0xffff  }
0xbb: {  	v4 =	vadd.f32 v9, v5;
	v3 =	vadd.f32 v7, v3;
	v5 =	vmul.f32 v14, v14;
	v19 =	vld.idx.msk [tilespmem:v16+s17+$0x0], $0xffff  }
0xbc: {  	v9 =	vadd.f32 v20, v2;
	v7 =	vor.u32 v0, v10;
	v20 =	vmul.f32 v6, v6  }
0xbd: {  	v10 =	vadd.s32 $0x8, v10;
	v6 =	vmul.f32 v6, v14;
	v3 =	vadd.f32 v5, v3;
	v5 =	vld.idx.msk [tilespmem:v16+s15+$0x0], $0xffff  }
0xbe: {  	v4 =	vadd.f32 v13, v4;
	v14 =	vmul.f32 v8, v21;
	v16 =	vmul.f32 v21, v21;
	v2 =	vld.idx.msk [tilespmem:v11+s17+$0x0], $0xffff  }
0xbf: {  	v9 =	vadd.f32 v18, v9;
	v8 =	vmul.f32 v8, v8;
	v18 =	vmul.f32 v12, v12;
	v13 =	vld.idx.msk [tilespmem:v17+s15+$0x0], $0xffff  }
0xc0: {  	v20 =	vadd.f32 v20, v4;
	v16 =	vadd.f32 v16, v3;
	v4 =	vmul.f32 v15, v12;
	v12 =	vld.idx.msk [tilespmem:v17+s17+$0x0], $0xffff  }
0xc1: {  	v10 =	vand.u32 $0x7F, v10;
	v6 =	vadd.f32 v6, v9;
	v15 =	vmul.f32 v15, v15;
	v3 =	vld.idx.msk [tilespmem:v7+s15+$0x0], $0xffff  }
.Ltmp2:
0xc2: {  	v8 =	vadd.f32 v8, v20;
	v16 =	vadd.f32 v18, v16;
	v18 =	vmul.f32 v19, v19;
	v9 =	vld.idx.msk [tilespmem:v7+s17+$0x0], $0xffff;
	(pc) =	sbr.rel @p0 .LBB2_7-.Ltmp2, $4  }
0xc3: {  	v7 =	vadd.f32 v14, v6;
	v6 =	vmul.f32 v19, v5;
	v14 =	vmul.f32 v5, v5;
	v5 =	vld.idx.msk [tilespmem:v11+s15+$0x0], $0xffff  }
0xc4: {  	v17 =	vadd.s32 $0x1, v1;
	v8 =	vadd.f32 v15, v8;
	v11 =	vadd.s32 $0x7, v1  }
0xc5: {  	v19 =	vand.u32 $0x7F, v17;
	v17 =	vadd.s32 $0x2, v1;
	v15 =	vadd.f32 v14, v16  }
0xc6: {  	v16 =	vor.u32 v0, v19;
	v14 =	vadd.f32 v18, v8;
	v8 =	vmul.f32 v12, v13  }
0xc7: {  	v10 =	vand.u32 $0x7F, v17  }
0xc8: {  	v58 =	vadd.s32 $0x3, v1;
	v10 =	vor.u32 v0, v10  }
0xc9: {  	v13 =	vmul.f32 v13, v13;
	v17 =	vand.u32 $0x7F, v58  }
0xca: {  	v19 =	vadd.s32 $0x4, v1;
	v12 =	vmul.f32 v12, v12;
	v17 =	vor.u32 v0, v17  }
0xcb: {  	v20 =	vld.idx.msk [tilespmem:v16+s15+$0x0], $0xffff;
	v21 =	vadd.s32 $0x5, v1;
	v62 =	vmul.f32 v2, v2;
	v19 =	vand.u32 $0x7F, v19  }
0xcc: {  	v59 =	vld.idx.msk [tilespmem:v16+s17+$0x0], $0xffff;
	v18 =	vmul.f32 v5, v5;
	v13 =	vadd.f32 v13, v15;
	v60 =	vor.u32 v0, v19  }
0xcd: {  	v28 =	vadd.s32 $0x6, v1;
	v61 =	vand.u32 $0x7F, v21;
	v12 =	vadd.f32 v12, v14;
	v63 =	vld.idx.msk [tilespmem:v10+s15+$0x0], $0xffff  }
0xce: {  	v29 =	vmul.f32 v3, v3;
	v19 =	vor.u32 v0, v61;
	v13 =	vadd.f32 v18, v13;
	v10 =	vld.idx.msk [tilespmem:v10+s17+$0x0], $0xffff  }
0xcf: {  	v22 =	vmul.f32 v9, v9;
	v1 =	vand.u32 $0x7F, v28;
	v12 =	vadd.f32 v62, v12;
	v23 =	vld.idx.msk [tilespmem:v17+s15+$0x0], $0xffff  }
0xd0: {  	v1 =	vor.u32 v0, v1;
	v30 =	vmul.f32 v20, v20;
	v13 =	vadd.f32 v29, v13;
	v17 =	vld.idx.msk [tilespmem:v17+s17+$0x0], $0xffff  }
0xd1: {  	v11 =	vand.u32 $0x7F, v11;
	v24 =	vmul.f32 v59, v59;
	v12 =	vadd.f32 v22, v12;
	v31 =	vld.idx.msk [tilespmem:v60+s15+$0x0], $0xffff  }
0xd2: {  	v32 =	vor.u32 v0, v11;
	v33 =	vld.idx.msk [tilespmem:v60+s17+$0x0], $0xffff;
	v13 =	vadd.f32 v30, v13  }
0xd3: {  	v36 =	vld.idx.msk [tilespmem:v19+s15+$0x0], $0xffff;
	v12 =	vadd.f32 v24, v12;
	v34 =	vmul.f32 v63, v63;
	v35 =	vmul.f32 v10, v10  }
0xd4: {  	v19 =	vld.idx.msk [tilespmem:v19+s17+$0x0], $0xffff;
	v37 =	vmul.f32 v23, v23  }
0xd5: {  	v25 =	vld.idx.msk [tilespmem:v1+s15+$0x0], $0xffff;
	v38 =	vmul.f32 v17, v17;
	v13 =	vadd.f32 v34, v13;
	v12 =	vadd.f32 v35, v12  }
0xd6: {  	v1 =	vld.idx.msk [tilespmem:v1+s17+$0x0], $0xffff;
	v39 =	vmul.f32 v31, v31  }
0xd7: {  	v40 =	vld.idx.msk [tilespmem:v32+s17+$0x0], $0xffff;
	v41 =	vmul.f32 v33, v33;
	v13 =	vadd.f32 v37, v13;
	v12 =	vadd.f32 v38, v12  }
0xd8: {  	v0 =	vld.idx.msk [tilespmem:v32+s15+$0x0], $0xffff;
	v42 =	vmul.f32 v36, v36  }
0xd9: {  	v43 =	vmul.f32 v19, v19;
	v13 =	vadd.f32 v39, v13;
	v12 =	vadd.f32 v41, v12  }
0xda: {  	v44 =	vmul.f32 v25, v25  }
0xdb: {  	v45 =	vmul.f32 v1, v1;
	v13 =	vadd.f32 v42, v13;
	v12 =	vadd.f32 v43, v12  }
0xdc: {  	v46 =	vmul.f32 v40, v40  }
0xdd: {  	v47 =	vmul.f32 v0, v0;
	v13 =	vadd.f32 v44, v13;
	v12 =	vadd.f32 v45, v12;
	_ =	sdelay $0x1  }
0xde: {  	v13 =	vadd.f32 v47, v13;
	v12 =	vadd.f32 v46, v12;
	_ =	sdelay $0x1  }
0xdf: {  	v12 =	vmul.f32 v12, v13;
	_ =	sdelay $0x1  }
0xe0: {  	v13 =	vshra.s32 v12, $0x1;
	v12 =	vmul.f32 $5.000000000e-01, v12  }
0xe1: {  	v13 =	vsub.s32 $0x5F3759DF, v13  }
0xe2: {  	v4 =	vadd.f32 v4, v7;
	v48 =	vmul.f32 v13, v12;
	_ =	sdelay $0x1  }
0xe3: {  	v4 =	vadd.f32 v6, v4;
	v49 =	vmul.f32 v13, v48;
	_ =	sdelay $0x1  }
0xe4: {  	v50 =	vmul.f32 v2, v5;
	v4 =	vadd.f32 v8, v4;
	v51 =	vsub.f32 $1.500000000e+00, v49;
	_ =	sdelay $0x1  }
0xe5: {  	v52 =	vmul.f32 v9, v3;
	v2 =	vadd.f32 v50, v4;
	v53 =	vmul.f32 v13, v51;
	_ =	sdelay $0x1  }
0xe6: {  	v54 =	vmul.f32 v59, v20;
	v2 =	vadd.f32 v52, v2;
	v55 =	vmul.f32 v53, v12;
	_ =	sdelay $0x1  }
0xe7: {  	v2 =	vadd.f32 v54, v2;
	v56 =	vmul.f32 v10, v63;
	v3 =	vmul.f32 v55, v53;
	_ =	sdelay $0x1  }
0xe8: {  	v57 =	vmul.f32 v17, v23;
	v2 =	vadd.f32 v56, v2;
	v3 =	vsub.f32 $1.500000000e+00, v3;
	_ =	sdelay $0x1  }
0xe9: {  	v58 =	vmul.f32 v33, v31;
	v2 =	vadd.f32 v57, v2;
	v3 =	vmul.f32 v3, v53;
	_ =	sdelay $0x1  }
0xea: {  	v59 =	vmul.f32 v19, v36;
	v2 =	vadd.f32 v58, v2;
	v60 =	vmul.f32 v3, v12;
	_ =	sdelay $0x1  }
0xeb: {  	v1 =	vmul.f32 v1, v25;
	v2 =	vadd.f32 v59, v2;
	v61 =	vmul.f32 v60, v3;
	_ =	sdelay $0x1  }
0xec: {  	s25 =	sadd.s32 $0x1, s25;
	v0 =	vmul.f32 v40, v0;
	v1 =	vadd.f32 v1, v2;
	v62 =	vsub.f32 $1.500000000e+00, v61  }
0xed: {  	p0 =	sne.s32 s25, $0x8  }
.Ltmp3:
0xee: {  	v0 =	vadd.f32 v0, v1;
	v63 =	vmul.f32 v62, v3;
	(pc) =	sbr.rel @p0 .LBB2_6-.Ltmp3, $3  }
0xef: {  	_ = 	snop  }
0xf0: {  	v0 =	vmul.f32 v63, v0;
	_ =	sdelay $0x1  }
0xf1: {  	[tilespmem:s26+$0x10480] =	vst v0  }
0xf2: {  	_ =	swait.ge [sflag:s14], $0x4000  }
0xf3: {  	[sflag:s14] =	ssyncset.done $0x0  }
0xf4: {  	[sflag:s14] =	ssyncadd.s32 $0xFFFFC000  }
0xf5: {  	_ =	swait.ge [sflag:s14], $0x4000  }
0xf6: {  	[sflag:s14] =	ssyncset.done $0x0  }
0xf7: {  	[sflag:s14] =	ssyncadd.s32 $0xFFFFC000  }
0xf8: {  	[tilespmem:s15], [sflag:$0x2] =	stream.indirect.gather [hbm4b:s1+s11], $0x80, s21, s11, $0xb8;
	[tilespmem:$0x10600] =	vst v63  }
0xf9: {  	s25 =	simm.s32 $0x0  }
0xfa: {  	[tilespmem:s17], [sflag:$0x2] =	stream.indirect.gather [hbm4b:s2+s11], $0x80, s22, s11, $0xb8;
	[tilespmem:$0x10600] =	vst v63  }
.LBB2_10:
0xfb: {  	s26 =	sshll.u32 s25, $0x4;
	v2 =	vlaneseq.u32  }
0xfc: {  	v0 =	vmov s26;
	v1 =	vmul.u32 $0x80, v2  }
0xfd: {  	v0 =	vshll.u32 v0, $0x7  }
0xfe: {  	v0 =	vor.u32 v1, v0  }
0xff: {  	v1 =	vor.u32 v0, v2;
	_ =	sdelay $0x1  }
0x100: {  	v3 =	vadd.s32 $0x1, v2  }
0x101: {  	v3 =	vand.u32 $0x7F, v3  }
0x102: {  	v4 =	vadd.s32 $0x2, v2;
	v3 =	vor.u32 v0, v3  }
0x103: {  	v4 =	vand.u32 $0x7F, v4;
	v5 =	vld.idx.msk [tilespmem:v1+s12+$0x0], $0xffff  }
0x104: {  	v4 =	vor.u32 v0, v4;
	v6 =	vld.idx.msk [tilespmem:v1+s13+$0x0], $0xffff;
	v1 =	vadd.s32 $0x3, v2  }
0x105: {  	v1 =	vand.u32 $0x7F, v1  }
0x106: {  	v13 =	vadd.s32 $0x5, v2;
	v7 =	vor.u32 v0, v1;
	v1 =	vadd.s32 $0x4, v2  }
0x107: {  	v8 =	vimm.f32 $0.0e+00;
	v13 =	vand.u32 $0x7F, v13;
	v10 =	vld.idx.msk [tilespmem:v3+s12+$0x0], $0xffff;
	v11 =	vand.u32 $0x7F, v1  }
0x108: {  	v9 =	vadd.s32 $0x8, v2;
	v13 =	vor.u32 v0, v13;
	v3 =	vld.idx.msk [tilespmem:v3+s13+$0x0], $0xffff;
	v11 =	vor.u32 v0, v11  }
0x109: {  	v14 =	vld.idx.msk [tilespmem:v4+s12+$0x0], $0xffff;
	v1 =	vand.u32 $0x7F, v9;
	v9 =	vadd.s32 $0x7, v2;
	v2 =	vadd.s32 $0x6, v2  }
0x10a: {  	v4 =	vld.idx.msk [tilespmem:v4+s13+$0x0], $0xffff;
	v2 =	vand.u32 $0x7F, v2;
	v12 =	vmul.f32 v6, v5;
	v5 =	vmul.f32 v5, v5  }
0x10b: {  	v9 =	vand.u32 $0x7F, v9;
	v6 =	vmul.f32 v6, v6;
	v2 =	vor.u32 v0, v2;
	v15 =	vld.idx.msk [tilespmem:v7+s12+$0x0], $0xffff  }
0x10c: {  	v16 =	vmul.f32 v10, v10;
	v18 =	vor.u32 v0, v9;
	v7 =	vld.idx.msk [tilespmem:v7+s13+$0x0], $0xffff;
	v5 =	vadd.f32 v5, v8  }
0x10d: {  	v9 =	vmul.f32 v3, v10;
	v3 =	vmul.f32 v3, v3;
	v6 =	vadd.f32 v6, v8;
	v17 =	vld.idx.msk [tilespmem:v11+s12+$0x0], $0xffff  }
0x10e: {  	v10 =	vmul.f32 v14, v14;
	v8 =	vadd.f32 v12, v8;
	v11 =	vld.idx.msk [tilespmem:v11+s13+$0x0], $0xffff;
	v5 =	vadd.f32 v16, v5  }
0x10f: {  	v19 =	vld.idx.msk [tilespmem:v13+s13+$0x0], $0xffff;
	v14 =	vmul.f32 v4, v14;
	v12 =	vmul.f32 v4, v4;
	v3 =	vadd.f32 v3, v6  }
0x110: {  	v16 =	vor.u32 v0, v1;
	v8 =	vadd.f32 v9, v8;
	v4 =	vadd.f32 v10, v5;
	v5 =	vld.idx.msk [tilespmem:v13+s12+$0x0], $0xffff  }
0x111: {  	v20 =	vadd.s32 $0x8, v1;
	v3 =	vadd.f32 v12, v3;
	v10 =	vmul.f32 v15, v15  }
0x112: {  	v13 =	vld.idx.msk [tilespmem:v2+s12+$0x0], $0xffff;
	v8 =	vadd.f32 v14, v8;
	v6 =	vmul.f32 v7, v15;
	v7 =	vmul.f32 v7, v7  }
0x113: {  	v12 =	vld.idx.msk [tilespmem:v2+s13+$0x0], $0xffff;
	v9 =	vmul.f32 v17, v17;
	v15 =	vadd.f32 v10, v4;
	v4 =	vmul.f32 v11, v17  }
0x114: {  	v2 =	vld.idx.msk [tilespmem:v18+s13+$0x0], $0xffff;
	v14 =	vmul.f32 v11, v11;
	v17 =	vadd.f32 v7, v3;
	v7 =	vadd.f32 v6, v8  }
0x115: {  	v3 =	vld.idx.msk [tilespmem:v16+s12+$0x0], $0xffff;
	v15 =	vadd.f32 v9, v15;
	v6 =	vmul.f32 v19, v5;
	v5 =	vmul.f32 v5, v5  }
0x116: {  	v63 =	vmul.f32 v19, v19;
	v10 =	vand.u32 $0x7F, v20;
	v9 =	vld.idx.msk [tilespmem:v16+s13+$0x0], $0xffff  }
0x117: {  	v8 =	vadd.s32 $0x1, v1;
	v14 =	vadd.f32 v14, v17;
	v15 =	vadd.f32 v5, v15;
	v5 =	vld.idx.msk [tilespmem:v18+s12+$0x0], $0xffff  }
0x118: {  	v11 =	vadd.s32 $0x7, v1;
	v8 =	vand.u32 $0x7F, v8;
	v17 =	vadd.s32 $0x2, v1  }
0x119: {  	s28 =	simm.s32 $0x8;
	v16 =	vor.u32 v0, v8;
	v8 =	vmul.f32 v12, v13;
	v14 =	vadd.f32 v63, v14  }
.LBB2_11:
0x11a: {  	s28 =	sadd.s32 $0x8, s28;
	v17 =	vand.u32 $0x7F, v17;
	v18 =	vadd.s32 $0x3, v1;
	v19 =	vmul.f32 v2, v2  }
0x11b: {  	v20 =	vmul.f32 v9, v3;
	v13 =	vmul.f32 v13, v13;
	p0 =	slt.u32 s28, $0x78;
	v17 =	vor.u32 v0, v17  }
0x11c: {  	v9 =	vmul.f32 v9, v9;
	v18 =	vand.u32 $0x7F, v18;
	v21 =	vmul.f32 v5, v5  }
0x11d: {  	v22 =	vadd.s32 $0x4, v1;
	v12 =	vmul.f32 v12, v12;
	v18 =	vor.u32 v0, v18  }
0x11e: {  	v4 =	vadd.f32 v4, v7;
	v22 =	vand.u32 $0x7F, v22;
	v7 =	vadd.f32 v13, v15;
	v23 =	vld.idx.msk [tilespmem:v16+s12+$0x0], $0xffff  }
0x11f: {  	v15 =	vor.u32 v0, v22;
	v12 =	vadd.f32 v12, v14;
	v13 =	vld.idx.msk [tilespmem:v16+s13+$0x0], $0xffff;
	v16 =	vadd.s32 $0x5, v1  }
0x120: {  	v11 =	vand.u32 $0x7F, v11;
	v4 =	vadd.f32 v6, v4;
	v14 =	vld.idx.msk [tilespmem:v17+s12+$0x0], $0xffff;
	v16 =	vand.u32 $0x7F, v16  }
0x121: {  	v7 =	vadd.f32 v21, v7;
	v6 =	vld.idx.msk [tilespmem:v17+s13+$0x0], $0xffff;
	v16 =	vor.u32 v0, v16;
	v17 =	vadd.s32 $0x6, v1;
	v1 =	vmovc v10  }
0x122: {  	v3 =	vmul.f32 v3, v3;
	v4 =	vadd.f32 v8, v4;
	v21 =	vld.idx.msk [tilespmem:v18+s12+$0x0], $0xffff;
	v17 =	vand.u32 $0x7F, v17  }
0x123: {  	v2 =	vmul.f32 v2, v5;
	v5 =	vadd.f32 v19, v12;
	v8 =	vld.idx.msk [tilespmem:v18+s13+$0x0], $0xffff;
	v17 =	vor.u32 v0, v17  }
0x124: {  	v11 =	vor.u32 v0, v11;
	v3 =	vadd.f32 v3, v7;
	v7 =	vmul.f32 v23, v23;
	v12 =	vld.idx.msk [tilespmem:v15+s12+$0x0], $0xffff  }
0x125: {  	v2 =	vadd.f32 v2, v4;
	v18 =	vmul.f32 v13, v23;
	v13 =	vmul.f32 v13, v13;
	v15 =	vld.idx.msk [tilespmem:v15+s13+$0x0], $0xffff  }
0x126: {  	v4 =	vadd.f32 v9, v5;
	v3 =	vadd.f32 v7, v3;
	v5 =	vmul.f32 v14, v14;
	v19 =	vld.idx.msk [tilespmem:v16+s13+$0x0], $0xffff  }
0x127: {  	v9 =	vadd.f32 v20, v2;
	v7 =	vor.u32 v0, v10;
	v20 =	vmul.f32 v6, v6  }
0x128: {  	v10 =	vadd.s32 $0x8, v10;
	v6 =	vmul.f32 v6, v14;
	v3 =	vadd.f32 v5, v3;
	v5 =	vld.idx.msk [tilespmem:v16+s12+$0x0], $0xffff  }
0x129: {  	v4 =	vadd.f32 v13, v4;
	v14 =	vmul.f32 v8, v21;
	v16 =	vmul.f32 v21, v21;
	v2 =	vld.idx.msk [tilespmem:v11+s13+$0x0], $0xffff  }
0x12a: {  	v9 =	vadd.f32 v18, v9;
	v8 =	vmul.f32 v8, v8;
	v18 =	vmul.f32 v12, v12;
	v13 =	vld.idx.msk [tilespmem:v17+s12+$0x0], $0xffff  }
0x12b: {  	v20 =	vadd.f32 v20, v4;
	v16 =	vadd.f32 v16, v3;
	v4 =	vmul.f32 v15, v12;
	v12 =	vld.idx.msk [tilespmem:v17+s13+$0x0], $0xffff  }
0x12c: {  	v10 =	vand.u32 $0x7F, v10;
	v6 =	vadd.f32 v6, v9;
	v15 =	vmul.f32 v15, v15;
	v3 =	vld.idx.msk [tilespmem:v7+s12+$0x0], $0xffff  }
.Ltmp4:
0x12d: {  	v8 =	vadd.f32 v8, v20;
	v16 =	vadd.f32 v18, v16;
	v18 =	vmul.f32 v19, v19;
	v9 =	vld.idx.msk [tilespmem:v7+s13+$0x0], $0xffff;
	(pc) =	sbr.rel @p0 .LBB2_11-.Ltmp4, $4  }
0x12e: {  	v7 =	vadd.f32 v14, v6;
	v6 =	vmul.f32 v19, v5;
	v14 =	vmul.f32 v5, v5;
	v5 =	vld.idx.msk [tilespmem:v11+s12+$0x0], $0xffff  }
0x12f: {  	v17 =	vadd.s32 $0x1, v1;
	v8 =	vadd.f32 v15, v8;
	v11 =	vadd.s32 $0x7, v1  }
0x130: {  	v19 =	vand.u32 $0x7F, v17;
	v17 =	vadd.s32 $0x2, v1;
	v15 =	vadd.f32 v14, v16  }
0x131: {  	v16 =	vor.u32 v0, v19;
	v14 =	vadd.f32 v18, v8;
	v8 =	vmul.f32 v12, v13  }
0x132: {  	v10 =	vand.u32 $0x7F, v17  }
0x133: {  	v58 =	vadd.s32 $0x3, v1;
	v10 =	vor.u32 v0, v10  }
0x134: {  	v13 =	vmul.f32 v13, v13;
	v17 =	vand.u32 $0x7F, v58  }
0x135: {  	v19 =	vadd.s32 $0x4, v1;
	v12 =	vmul.f32 v12, v12;
	v17 =	vor.u32 v0, v17  }
0x136: {  	v20 =	vld.idx.msk [tilespmem:v16+s12+$0x0], $0xffff;
	v21 =	vadd.s32 $0x5, v1;
	v62 =	vmul.f32 v2, v2;
	v19 =	vand.u32 $0x7F, v19  }
0x137: {  	v59 =	vld.idx.msk [tilespmem:v16+s13+$0x0], $0xffff;
	v18 =	vmul.f32 v5, v5;
	v13 =	vadd.f32 v13, v15;
	v60 =	vor.u32 v0, v19  }
0x138: {  	v28 =	vadd.s32 $0x6, v1;
	v61 =	vand.u32 $0x7F, v21;
	v12 =	vadd.f32 v12, v14;
	v63 =	vld.idx.msk [tilespmem:v10+s12+$0x0], $0xffff  }
0x139: {  	v29 =	vmul.f32 v3, v3;
	v19 =	vor.u32 v0, v61;
	v13 =	vadd.f32 v18, v13;
	v10 =	vld.idx.msk [tilespmem:v10+s13+$0x0], $0xffff  }
0x13a: {  	v22 =	vmul.f32 v9, v9;
	v1 =	vand.u32 $0x7F, v28;
	v12 =	vadd.f32 v62, v12;
	v23 =	vld.idx.msk [tilespmem:v17+s12+$0x0], $0xffff  }
0x13b: {  	v1 =	vor.u32 v0, v1;
	v30 =	vmul.f32 v20, v20;
	v13 =	vadd.f32 v29, v13;
	v17 =	vld.idx.msk [tilespmem:v17+s13+$0x0], $0xffff  }
0x13c: {  	v11 =	vand.u32 $0x7F, v11;
	v24 =	vmul.f32 v59, v59;
	v12 =	vadd.f32 v22, v12;
	v31 =	vld.idx.msk [tilespmem:v60+s12+$0x0], $0xffff  }
0x13d: {  	v32 =	vor.u32 v0, v11;
	v33 =	vld.idx.msk [tilespmem:v60+s13+$0x0], $0xffff;
	v13 =	vadd.f32 v30, v13  }
0x13e: {  	v36 =	vld.idx.msk [tilespmem:v19+s12+$0x0], $0xffff;
	v12 =	vadd.f32 v24, v12;
	v34 =	vmul.f32 v63, v63;
	v35 =	vmul.f32 v10, v10  }
0x13f: {  	v19 =	vld.idx.msk [tilespmem:v19+s13+$0x0], $0xffff;
	v37 =	vmul.f32 v23, v23  }
0x140: {  	v25 =	vld.idx.msk [tilespmem:v1+s12+$0x0], $0xffff;
	v38 =	vmul.f32 v17, v17;
	v13 =	vadd.f32 v34, v13;
	v12 =	vadd.f32 v35, v12  }
0x141: {  	v1 =	vld.idx.msk [tilespmem:v1+s13+$0x0], $0xffff;
	v39 =	vmul.f32 v31, v31  }
0x142: {  	v40 =	vld.idx.msk [tilespmem:v32+s13+$0x0], $0xffff;
	v41 =	vmul.f32 v33, v33;
	v13 =	vadd.f32 v37, v13;
	v12 =	vadd.f32 v38, v12  }
0x143: {  	v0 =	vld.idx.msk [tilespmem:v32+s12+$0x0], $0xffff;
	v42 =	vmul.f32 v36, v36  }
0x144: {  	v43 =	vmul.f32 v19, v19;
	v13 =	vadd.f32 v39, v13;
	v12 =	vadd.f32 v41, v12  }
0x145: {  	v44 =	vmul.f32 v25, v25  }
0x146: {  	v45 =	vmul.f32 v1, v1;
	v13 =	vadd.f32 v42, v13;
	v12 =	vadd.f32 v43, v12  }
0x147: {  	v46 =	vmul.f32 v40, v40  }
0x148: {  	v47 =	vmul.f32 v0, v0;
	v13 =	vadd.f32 v44, v13;
	v12 =	vadd.f32 v45, v12;
	_ =	sdelay $0x1  }
0x149: {  	v13 =	vadd.f32 v47, v13;
	v12 =	vadd.f32 v46, v12;
	_ =	sdelay $0x1  }
0x14a: {  	v12 =	vmul.f32 v12, v13;
	_ =	sdelay $0x1  }
0x14b: {  	v13 =	vshra.s32 v12, $0x1;
	v12 =	vmul.f32 $5.000000000e-01, v12  }
0x14c: {  	v13 =	vsub.s32 $0x5F3759DF, v13  }
0x14d: {  	v4 =	vadd.f32 v4, v7;
	v48 =	vmul.f32 v13, v12;
	_ =	sdelay $0x1  }
0x14e: {  	v4 =	vadd.f32 v6, v4;
	v49 =	vmul.f32 v13, v48;
	_ =	sdelay $0x1  }
0x14f: {  	v50 =	vmul.f32 v2, v5;
	v4 =	vadd.f32 v8, v4;
	v51 =	vsub.f32 $1.500000000e+00, v49;
	_ =	sdelay $0x1  }
0x150: {  	v52 =	vmul.f32 v9, v3;
	v2 =	vadd.f32 v50, v4;
	v53 =	vmul.f32 v13, v51;
	_ =	sdelay $0x1  }
0x151: {  	v54 =	vmul.f32 v59, v20;
	v2 =	vadd.f32 v52, v2;
	v55 =	vmul.f32 v53, v12;
	_ =	sdelay $0x1  }
0x152: {  	v2 =	vadd.f32 v54, v2;
	v56 =	vmul.f32 v10, v63;
	v3 =	vmul.f32 v55, v53;
	_ =	sdelay $0x1  }
0x153: {  	v57 =	vmul.f32 v17, v23;
	v2 =	vadd.f32 v56, v2;
	v3 =	vsub.f32 $1.500000000e+00, v3;
	_ =	sdelay $0x1  }
0x154: {  	v58 =	vmul.f32 v33, v31;
	v2 =	vadd.f32 v57, v2;
	v3 =	vmul.f32 v3, v53;
	_ =	sdelay $0x1  }
0x155: {  	v59 =	vmul.f32 v19, v36;
	v2 =	vadd.f32 v58, v2;
	v60 =	vmul.f32 v3, v12;
	_ =	sdelay $0x1  }
0x156: {  	v1 =	vmul.f32 v1, v25;
	v2 =	vadd.f32 v59, v2;
	v61 =	vmul.f32 v60, v3;
	_ =	sdelay $0x1  }
0x157: {  	s25 =	sadd.s32 $0x1, s25;
	v0 =	vmul.f32 v40, v0;
	v1 =	vadd.f32 v1, v2;
	v62 =	vsub.f32 $1.500000000e+00, v61  }
0x158: {  	p0 =	sne.s32 s25, $0x8  }
.Ltmp5:
0x159: {  	v0 =	vadd.f32 v0, v1;
	v63 =	vmul.f32 v62, v3;
	(pc) =	sbr.rel @p0 .LBB2_10-.Ltmp5, $3  }
0x15a: {  	_ = 	snop  }
0x15b: {  	v0 =	vmul.f32 v63, v0;
	_ =	sdelay $0x1  }
0x15c: {  	[tilespmem:s26+$0x10500] =	vst v0  }
0x15d: {  	_ =	swait.ge [sflag:s18], $0x4000  }
0x15e: {  	[sflag:s18] =	ssyncset.done $0x0  }
0x15f: {  	[sflag:s18] =	ssyncadd.s32 $0xFFFFC000  }
0x160: {  	_ =	swait.ge [sflag:s18], $0x4000  }
0x161: {  	[sflag:s18] =	ssyncset.done $0x0  }
0x162: {  	s25 =	simm.s32 $0x0;
	[sflag:s18] =	ssyncadd.s32 $0xFFFFC000  }
.LBB2_14:
0x163: {  	s26 =	sshll.u32 s25, $0x4;
	v2 =	vlaneseq.u32  }
0x164: {  	v0 =	vmov s26;
	v1 =	vmul.u32 $0x80, v2  }
0x165: {  	v0 =	vshll.u32 v0, $0x7  }
0x166: {  	v0 =	vor.u32 v1, v0  }
0x167: {  	v1 =	vor.u32 v0, v2;
	_ =	sdelay $0x1  }
0x168: {  	v3 =	vadd.s32 $0x1, v2  }
0x169: {  	v3 =	vand.u32 $0x7F, v3  }
0x16a: {  	v4 =	vadd.s32 $0x2, v2;
	v3 =	vor.u32 v0, v3  }
0x16b: {  	v4 =	vand.u32 $0x7F, v4;
	v5 =	vld.idx.msk [tilespmem:v1+s15+$0x0], $0xffff  }
0x16c: {  	v4 =	vor.u32 v0, v4;
	v6 =	vld.idx.msk [tilespmem:v1+s17+$0x0], $0xffff;
	v1 =	vadd.s32 $0x3, v2  }
0x16d: {  	v1 =	vand.u32 $0x7F, v1  }
0x16e: {  	v13 =	vadd.s32 $0x5, v2;
	v7 =	vor.u32 v0, v1;
	v1 =	vadd.s32 $0x4, v2  }
0x16f: {  	v8 =	vimm.f32 $0.0e+00;
	v13 =	vand.u32 $0x7F, v13;
	v10 =	vld.idx.msk [tilespmem:v3+s15+$0x0], $0xffff;
	v11 =	vand.u32 $0x7F, v1  }
0x170: {  	v9 =	vadd.s32 $0x8, v2;
	v13 =	vor.u32 v0, v13;
	v3 =	vld.idx.msk [tilespmem:v3+s17+$0x0], $0xffff;
	v11 =	vor.u32 v0, v11  }
0x171: {  	v14 =	vld.idx.msk [tilespmem:v4+s15+$0x0], $0xffff;
	v1 =	vand.u32 $0x7F, v9;
	v9 =	vadd.s32 $0x7, v2;
	v2 =	vadd.s32 $0x6, v2  }
0x172: {  	v4 =	vld.idx.msk [tilespmem:v4+s17+$0x0], $0xffff;
	v2 =	vand.u32 $0x7F, v2;
	v12 =	vmul.f32 v6, v5;
	v5 =	vmul.f32 v5, v5  }
0x173: {  	v9 =	vand.u32 $0x7F, v9;
	v6 =	vmul.f32 v6, v6;
	v2 =	vor.u32 v0, v2;
	v15 =	vld.idx.msk [tilespmem:v7+s15+$0x0], $0xffff  }
0x174: {  	v16 =	vmul.f32 v10, v10;
	v18 =	vor.u32 v0, v9;
	v7 =	vld.idx.msk [tilespmem:v7+s17+$0x0], $0xffff;
	v5 =	vadd.f32 v5, v8  }
0x175: {  	v9 =	vmul.f32 v3, v10;
	v3 =	vmul.f32 v3, v3;
	v6 =	vadd.f32 v6, v8;
	v17 =	vld.idx.msk [tilespmem:v11+s15+$0x0], $0xffff  }
0x176: {  	v10 =	vmul.f32 v14, v14;
	v8 =	vadd.f32 v12, v8;
	v11 =	vld.idx.msk [tilespmem:v11+s17+$0x0], $0xffff;
	v5 =	vadd.f32 v16, v5  }
0x177: {  	v19 =	vld.idx.msk [tilespmem:v13+s17+$0x0], $0xffff;
	v14 =	vmul.f32 v4, v14;
	v12 =	vmul.f32 v4, v4;
	v3 =	vadd.f32 v3, v6  }
0x178: {  	v16 =	vor.u32 v0, v1;
	v8 =	vadd.f32 v9, v8;
	v4 =	vadd.f32 v10, v5;
	v5 =	vld.idx.msk [tilespmem:v13+s15+$0x0], $0xffff  }
0x179: {  	v20 =	vadd.s32 $0x8, v1;
	v3 =	vadd.f32 v12, v3;
	v10 =	vmul.f32 v15, v15  }
0x17a: {  	v13 =	vld.idx.msk [tilespmem:v2+s15+$0x0], $0xffff;
	v8 =	vadd.f32 v14, v8;
	v6 =	vmul.f32 v7, v15;
	v7 =	vmul.f32 v7, v7  }
0x17b: {  	v12 =	vld.idx.msk [tilespmem:v2+s17+$0x0], $0xffff;
	v9 =	vmul.f32 v17, v17;
	v15 =	vadd.f32 v10, v4;
	v4 =	vmul.f32 v11, v17  }
0x17c: {  	v2 =	vld.idx.msk [tilespmem:v18+s17+$0x0], $0xffff;
	v14 =	vmul.f32 v11, v11;
	v17 =	vadd.f32 v7, v3;
	v7 =	vadd.f32 v6, v8  }
0x17d: {  	v3 =	vld.idx.msk [tilespmem:v16+s15+$0x0], $0xffff;
	v15 =	vadd.f32 v9, v15;
	v6 =	vmul.f32 v19, v5;
	v5 =	vmul.f32 v5, v5  }
0x17e: {  	v63 =	vmul.f32 v19, v19;
	v10 =	vand.u32 $0x7F, v20;
	v9 =	vld.idx.msk [tilespmem:v16+s17+$0x0], $0xffff  }
0x17f: {  	v8 =	vadd.s32 $0x1, v1;
	v14 =	vadd.f32 v14, v17;
	v15 =	vadd.f32 v5, v15;
	v5 =	vld.idx.msk [tilespmem:v18+s15+$0x0], $0xffff  }
0x180: {  	v11 =	vadd.s32 $0x7, v1;
	v8 =	vand.u32 $0x7F, v8;
	v17 =	vadd.s32 $0x2, v1  }
0x181: {  	s28 =	simm.s32 $0x8;
	v16 =	vor.u32 v0, v8;
	v8 =	vmul.f32 v12, v13;
	v14 =	vadd.f32 v63, v14  }
.LBB2_15:
0x182: {  	s28 =	sadd.s32 $0x8, s28;
	v17 =	vand.u32 $0x7F, v17;
	v18 =	vadd.s32 $0x3, v1;
	v19 =	vmul.f32 v2, v2  }
0x183: {  	v20 =	vmul.f32 v9, v3;
	v13 =	vmul.f32 v13, v13;
	p0 =	slt.u32 s28, $0x78;
	v17 =	vor.u32 v0, v17  }
0x184: {  	v9 =	vmul.f32 v9, v9;
	v18 =	vand.u32 $0x7F, v18;
	v21 =	vmul.f32 v5, v5  }
0x185: {  	v22 =	vadd.s32 $0x4, v1;
	v12 =	vmul.f32 v12, v12;
	v18 =	vor.u32 v0, v18  }
0x186: {  	v4 =	vadd.f32 v4, v7;
	v22 =	vand.u32 $0x7F, v22;
	v7 =	vadd.f32 v13, v15;
	v23 =	vld.idx.msk [tilespmem:v16+s15+$0x0], $0xffff  }
0x187: {  	v15 =	vor.u32 v0, v22;
	v12 =	vadd.f32 v12, v14;
	v13 =	vld.idx.msk [tilespmem:v16+s17+$0x0], $0xffff;
	v16 =	vadd.s32 $0x5, v1  }
0x188: {  	v11 =	vand.u32 $0x7F, v11;
	v4 =	vadd.f32 v6, v4;
	v14 =	vld.idx.msk [tilespmem:v17+s15+$0x0], $0xffff;
	v16 =	vand.u32 $0x7F, v16  }
0x189: {  	v7 =	vadd.f32 v21, v7;
	v6 =	vld.idx.msk [tilespmem:v17+s17+$0x0], $0xffff;
	v16 =	vor.u32 v0, v16;
	v17 =	vadd.s32 $0x6, v1;
	v1 =	vmovc v10  }
0x18a: {  	v3 =	vmul.f32 v3, v3;
	v4 =	vadd.f32 v8, v4;
	v21 =	vld.idx.msk [tilespmem:v18+s15+$0x0], $0xffff;
	v17 =	vand.u32 $0x7F, v17  }
0x18b: {  	v2 =	vmul.f32 v2, v5;
	v5 =	vadd.f32 v19, v12;
	v8 =	vld.idx.msk [tilespmem:v18+s17+$0x0], $0xffff;
	v17 =	vor.u32 v0, v17  }
0x18c: {  	v11 =	vor.u32 v0, v11;
	v3 =	vadd.f32 v3, v7;
	v7 =	vmul.f32 v23, v23;
	v12 =	vld.idx.msk [tilespmem:v15+s15+$0x0], $0xffff  }
0x18d: {  	v2 =	vadd.f32 v2, v4;
	v18 =	vmul.f32 v13, v23;
	v13 =	vmul.f32 v13, v13;
	v15 =	vld.idx.msk [tilespmem:v15+s17+$0x0], $0xffff  }
0x18e: {  	v4 =	vadd.f32 v9, v5;
	v3 =	vadd.f32 v7, v3;
	v5 =	vmul.f32 v14, v14;
	v19 =	vld.idx.msk [tilespmem:v16+s17+$0x0], $0xffff  }
0x18f: {  	v9 =	vadd.f32 v20, v2;
	v7 =	vor.u32 v0, v10;
	v20 =	vmul.f32 v6, v6  }
0x190: {  	v10 =	vadd.s32 $0x8, v10;
	v6 =	vmul.f32 v6, v14;
	v3 =	vadd.f32 v5, v3;
	v5 =	vld.idx.msk [tilespmem:v16+s15+$0x0], $0xffff  }
0x191: {  	v4 =	vadd.f32 v13, v4;
	v14 =	vmul.f32 v8, v21;
	v16 =	vmul.f32 v21, v21;
	v2 =	vld.idx.msk [tilespmem:v11+s17+$0x0], $0xffff  }
0x192: {  	v9 =	vadd.f32 v18, v9;
	v8 =	vmul.f32 v8, v8;
	v18 =	vmul.f32 v12, v12;
	v13 =	vld.idx.msk [tilespmem:v17+s15+$0x0], $0xffff  }
0x193: {  	v20 =	vadd.f32 v20, v4;
	v16 =	vadd.f32 v16, v3;
	v4 =	vmul.f32 v15, v12;
	v12 =	vld.idx.msk [tilespmem:v17+s17+$0x0], $0xffff  }
0x194: {  	v10 =	vand.u32 $0x7F, v10;
	v6 =	vadd.f32 v6, v9;
	v15 =	vmul.f32 v15, v15;
	v3 =	vld.idx.msk [tilespmem:v7+s15+$0x0], $0xffff  }
.Ltmp6:
0x195: {  	v8 =	vadd.f32 v8, v20;
	v16 =	vadd.f32 v18, v16;
	v18 =	vmul.f32 v19, v19;
	v9 =	vld.idx.msk [tilespmem:v7+s17+$0x0], $0xffff;
	(pc) =	sbr.rel @p0 .LBB2_15-.Ltmp6, $4  }
0x196: {  	v7 =	vadd.f32 v14, v6;
	v6 =	vmul.f32 v19, v5;
	v14 =	vmul.f32 v5, v5;
	v5 =	vld.idx.msk [tilespmem:v11+s15+$0x0], $0xffff  }
0x197: {  	v17 =	vadd.s32 $0x1, v1;
	v8 =	vadd.f32 v15, v8;
	v11 =	vadd.s32 $0x7, v1  }
0x198: {  	v19 =	vand.u32 $0x7F, v17;
	v17 =	vadd.s32 $0x2, v1;
	v15 =	vadd.f32 v14, v16  }
0x199: {  	v16 =	vor.u32 v0, v19;
	v14 =	vadd.f32 v18, v8;
	v8 =	vmul.f32 v12, v13  }
0x19a: {  	v10 =	vand.u32 $0x7F, v17  }
0x19b: {  	v58 =	vadd.s32 $0x3, v1;
	v10 =	vor.u32 v0, v10  }
0x19c: {  	v13 =	vmul.f32 v13, v13;
	v17 =	vand.u32 $0x7F, v58  }
0x19d: {  	v19 =	vadd.s32 $0x4, v1;
	v12 =	vmul.f32 v12, v12;
	v17 =	vor.u32 v0, v17  }
0x19e: {  	v20 =	vld.idx.msk [tilespmem:v16+s15+$0x0], $0xffff;
	v21 =	vadd.s32 $0x5, v1;
	v62 =	vmul.f32 v2, v2;
	v19 =	vand.u32 $0x7F, v19  }
0x19f: {  	v59 =	vld.idx.msk [tilespmem:v16+s17+$0x0], $0xffff;
	v18 =	vmul.f32 v5, v5;
	v13 =	vadd.f32 v13, v15;
	v60 =	vor.u32 v0, v19  }
0x1a0: {  	v28 =	vadd.s32 $0x6, v1;
	v61 =	vand.u32 $0x7F, v21;
	v12 =	vadd.f32 v12, v14;
	v63 =	vld.idx.msk [tilespmem:v10+s15+$0x0], $0xffff  }
0x1a1: {  	v29 =	vmul.f32 v3, v3;
	v19 =	vor.u32 v0, v61;
	v13 =	vadd.f32 v18, v13;
	v10 =	vld.idx.msk [tilespmem:v10+s17+$0x0], $0xffff  }
0x1a2: {  	v22 =	vmul.f32 v9, v9;
	v1 =	vand.u32 $0x7F, v28;
	v12 =	vadd.f32 v62, v12;
	v23 =	vld.idx.msk [tilespmem:v17+s15+$0x0], $0xffff  }
0x1a3: {  	v1 =	vor.u32 v0, v1;
	v30 =	vmul.f32 v20, v20;
	v13 =	vadd.f32 v29, v13;
	v17 =	vld.idx.msk [tilespmem:v17+s17+$0x0], $0xffff  }
0x1a4: {  	v11 =	vand.u32 $0x7F, v11;
	v24 =	vmul.f32 v59, v59;
	v12 =	vadd.f32 v22, v12;
	v31 =	vld.idx.msk [tilespmem:v60+s15+$0x0], $0xffff  }
0x1a5: {  	v32 =	vor.u32 v0, v11;
	v33 =	vld.idx.msk [tilespmem:v60+s17+$0x0], $0xffff;
	v13 =	vadd.f32 v30, v13  }
0x1a6: {  	v36 =	vld.idx.msk [tilespmem:v19+s15+$0x0], $0xffff;
	v12 =	vadd.f32 v24, v12;
	v34 =	vmul.f32 v63, v63;
	v35 =	vmul.f32 v10, v10  }
0x1a7: {  	v19 =	vld.idx.msk [tilespmem:v19+s17+$0x0], $0xffff;
	v37 =	vmul.f32 v23, v23  }
0x1a8: {  	v25 =	vld.idx.msk [tilespmem:v1+s15+$0x0], $0xffff;
	v38 =	vmul.f32 v17, v17;
	v13 =	vadd.f32 v34, v13;
	v12 =	vadd.f32 v35, v12  }
0x1a9: {  	v1 =	vld.idx.msk [tilespmem:v1+s17+$0x0], $0xffff;
	v39 =	vmul.f32 v31, v31  }
0x1aa: {  	v40 =	vld.idx.msk [tilespmem:v32+s17+$0x0], $0xffff;
	v41 =	vmul.f32 v33, v33;
	v13 =	vadd.f32 v37, v13;
	v12 =	vadd.f32 v38, v12  }
0x1ab: {  	v0 =	vld.idx.msk [tilespmem:v32+s15+$0x0], $0xffff;
	v42 =	vmul.f32 v36, v36  }
0x1ac: {  	v43 =	vmul.f32 v19, v19;
	v13 =	vadd.f32 v39, v13;
	v12 =	vadd.f32 v41, v12  }
0x1ad: {  	v44 =	vmul.f32 v25, v25  }
0x1ae: {  	v45 =	vmul.f32 v1, v1;
	v13 =	vadd.f32 v42, v13;
	v12 =	vadd.f32 v43, v12  }
0x1af: {  	v46 =	vmul.f32 v40, v40  }
0x1b0: {  	v47 =	vmul.f32 v0, v0;
	v13 =	vadd.f32 v44, v13;
	v12 =	vadd.f32 v45, v12;
	_ =	sdelay $0x1  }
0x1b1: {  	v13 =	vadd.f32 v47, v13;
	v12 =	vadd.f32 v46, v12;
	_ =	sdelay $0x1  }
0x1b2: {  	v12 =	vmul.f32 v12, v13;
	_ =	sdelay $0x1  }
0x1b3: {  	v13 =	vshra.s32 v12, $0x1;
	v12 =	vmul.f32 $5.000000000e-01, v12  }
0x1b4: {  	v13 =	vsub.s32 $0x5F3759DF, v13  }
0x1b5: {  	v4 =	vadd.f32 v4, v7;
	v48 =	vmul.f32 v13, v12;
	_ =	sdelay $0x1  }
0x1b6: {  	v4 =	vadd.f32 v6, v4;
	v49 =	vmul.f32 v13, v48;
	_ =	sdelay $0x1  }
0x1b7: {  	v50 =	vmul.f32 v2, v5;
	v4 =	vadd.f32 v8, v4;
	v51 =	vsub.f32 $1.500000000e+00, v49;
	_ =	sdelay $0x1  }
0x1b8: {  	v52 =	vmul.f32 v9, v3;
	v2 =	vadd.f32 v50, v4;
	v53 =	vmul.f32 v13, v51;
	_ =	sdelay $0x1  }
0x1b9: {  	v54 =	vmul.f32 v59, v20;
	v2 =	vadd.f32 v52, v2;
	v55 =	vmul.f32 v53, v12;
	_ =	sdelay $0x1  }
0x1ba: {  	v2 =	vadd.f32 v54, v2;
	v56 =	vmul.f32 v10, v63;
	v3 =	vmul.f32 v55, v53;
	_ =	sdelay $0x1  }
0x1bb: {  	v57 =	vmul.f32 v17, v23;
	v2 =	vadd.f32 v56, v2;
	v3 =	vsub.f32 $1.500000000e+00, v3;
	_ =	sdelay $0x1  }
0x1bc: {  	v58 =	vmul.f32 v33, v31;
	v2 =	vadd.f32 v57, v2;
	v3 =	vmul.f32 v3, v53;
	_ =	sdelay $0x1  }
0x1bd: {  	v59 =	vmul.f32 v19, v36;
	v2 =	vadd.f32 v58, v2;
	v60 =	vmul.f32 v3, v12;
	_ =	sdelay $0x1  }
0x1be: {  	v1 =	vmul.f32 v1, v25;
	v2 =	vadd.f32 v59, v2;
	v61 =	vmul.f32 v60, v3;
	_ =	sdelay $0x1  }
0x1bf: {  	s25 =	sadd.s32 $0x1, s25;
	v0 =	vmul.f32 v40, v0;
	v1 =	vadd.f32 v1, v2;
	v62 =	vsub.f32 $1.500000000e+00, v61  }
0x1c0: {  	p0 =	sne.s32 s25, $0x8  }
.Ltmp7:
0x1c1: {  	v0 =	vadd.f32 v0, v1;
	v63 =	vmul.f32 v62, v3;
	(pc) =	sbr.rel @p0 .LBB2_14-.Ltmp7, $3  }
0x1c2: {  	_ = 	snop  }
0x1c3: {  	v0 =	vmul.f32 v63, v0;
	_ =	sdelay $0x1  }
0x1c4: {  	[tilespmem:s26+$0x10580] =	vst v0  }
0x1c5: {  	s24 =	sadd.s32 $0x1, s24  }
0x1c6: {  	p0 =	sne.s32 s24, s8  }
.Ltmp8:
0x1c7: {  	_ = 	snop;
	(pc) =	sbr.rel @p0 .LBB2_1-.Ltmp8, $4  }
0x1c8: {  	[hbm4b:s7+s4] =	stream.linear.scatter [tilespmem:s23], [sflag:$0x3], $0x200, $0x38;
	[tilespmem:$0x10600] =	vst v63  }
0x1c9: {  	_ =	swait.ge [sflag:s9], $0x200  }
0x1ca: {  	[sflag:s9] =	ssyncset.done $0x0  }
0x1cb: {  	[sflag:s9] =	ssyncadd.s32 $0xFFFFFE00  }
0x1cc: {  	_ =	sfence.sel $0x180000  }
0x1cd: {  	[bflag:$0x0] =	sbarrier.arrive $0xFFFF  }
0x1ce: {  	p0 =	sne.s32 s3, $0x0;
	_ =	strace $0x90000047  }
0x1cf: {  	s0 =	sadd.s32 @!p0 $0x100000, s0;
	[bflag:$0x2] =	sbarrier.arrive $0xFFFF  }
0x1d0: {  	[sflag:s0] =	ssyncadd.tile.s32 @!p0 $0x1;
	_ =	shalt  }
.Lfunc_end2:
_tile_overlayer_lowered:
.L_overlay_start_2:
0x1d1: {  	(tag) =	ssettag $0x2  }
0x1d2: {  	s0 =	rddreg [dreg:$0x0];
	s2 =	stileid.u32  }
0x1d3: {  	s1 =	rddreg [dreg:$0x1];
	p0 =	sne.s32 s2, $0x0  }
0x1d4: {  	s3 =	rddreg [dreg:$0x2];
	[bflag:$0x3] =	sbarrier.arrive $0xFFFF;
	s2 =	simm.s32 @!p0 $0x1C03  }
0x1d5: {  	[timem:s3], [sflag:s2] =	dma.local @!p0 [hbm:s0], s1  }
0x1d6: {  	s0 =	simm.s32 @!p0 $0x3  }
0x1d7: {  	_ =	swait.ge @!p0 [sflag:s0], s1  }
0x1d8: {  	s1 =	ssub.s32 @!p0 $0x0, s1;
	[sflag:s0] =	ssyncset.done @!p0 $0x0  }
0x1d9: {  	[sflag:s0] =	ssyncadd.s32 @!p0 s1  }
0x1da: {  	[bflag:$0x3] =	sbarrier.arrive $0xFFFF  }
0x1db: {  	_ =	shalt  }

</sc_bundles>
